<compile_context>
chip_gen: v7x
topology: tpu7x:2x2x1
jax: 0.10.2.dev20260603
libtpu: 0.0.44.dev20260713+nightly
codegen_flags: <defaults>
</compile_context>

<pallas_src>
import functools

import jax
import jax.numpy as jnp
from jax import lax
from jax.experimental import pallas as pl
from jax.experimental.pallas import tpu as pltpu
from jax.experimental.pallas import tpu_sc as plsc

N_EMBED = 1024
DIM = 256
NB = 16
HW = 1024
TOK = NB * HW


TBLK = 2048


def _tc_body(zt_ref, w_ref, idx_o):
    w = w_ref[...]
    w2 = jnp.sum(w * w, axis=1)
    zb = lax.transpose(zt_ref[...], (1, 0))
    z2 = jnp.sum(zb * zb, axis=0)
    S = lax.dot_general(w, zb, (((1,), (0,)), ((), ())))
    dm = (z2[None, :] + w2[:, None]) - 2.0 * S
    m = jnp.min(dm, axis=0, keepdims=True)
    iota = lax.broadcasted_iota(jnp.int32, dm.shape, 0)
    idx_o[0, 0, :] = jnp.min(jnp.where(dm == m, iota, dm.shape[0]), axis=0)


def _tc_indices(zt, weight):
    nblk = TOK // TBLK
    idx = pl.pallas_call(
        _tc_body,
        grid=(nblk,),
        in_specs=[pl.BlockSpec((TBLK, DIM), lambda i: (i, 0)),
                  pl.BlockSpec((N_EMBED, DIM), lambda i: (0, 0))],
        out_specs=pl.BlockSpec((1, 1, TBLK), lambda i: (i, 0, 0)),
        out_shape=jax.ShapeDtypeStruct((nblk, 1, TBLK), jnp.int32),
    )(zt, weight)
    return idx.reshape(TOK)


_NC, _NS = 2, 16
_NW = _NC * _NS
_BPW = TOK // _NW
_CHUNK = 128
_NCHUNK = _BPW // _CHUNK


def _make_sc_gather():
    mesh = plsc.VectorSubcoreMesh(core_axis_name="c", subcore_axis_name="s")

    @functools.partial(
        pl.kernel, mesh=mesh,
        out_type=jax.ShapeDtypeStruct((TOK, DIM), jnp.float32),
        scratch_types=[
            pltpu.VMEM((2, _CHUNK), jnp.int32),
            pltpu.VMEM((2, _CHUNK, DIM), jnp.float32),
            pltpu.SemaphoreType.DMA,
            pltpu.SemaphoreType.DMA,
        ],
    )
    def gather_kernel(idx_hbm, table_hbm, out_hbm, idx_v, rows_v, gsem, osem):
        wid = lax.axis_index("s") * _NC + lax.axis_index("c")
        base = wid * _BPW
        gth = [None, None]
        out = [None, None]
        pltpu.sync_copy(idx_hbm.at[pl.ds(base, _CHUNK)], idx_v.at[0])
        gth[0] = pltpu.async_copy(table_hbm.at[idx_v.at[0]], rows_v.at[0], gsem)
        for c in range(_NCHUNK):
            cur, nxt = c % 2, (c + 1) % 2
            if c + 1 < _NCHUNK:
                if out[nxt] is not None:
                    out[nxt].wait()
                pltpu.sync_copy(idx_hbm.at[pl.ds(base + (c + 1) * _CHUNK, _CHUNK)],
                                idx_v.at[nxt])
                gth[nxt] = pltpu.async_copy(
                    table_hbm.at[idx_v.at[nxt]], rows_v.at[nxt], gsem)
            gth[cur].wait()
            out[cur] = pltpu.async_copy(
                rows_v.at[cur], out_hbm.at[pl.ds(base + c * _CHUNK, _CHUNK)], osem)
        out[(_NCHUNK - 2) % 2].wait()
        out[(_NCHUNK - 1) % 2].wait()

    return gather_kernel


def kernel(z, weight):
    zt = jnp.transpose(z, (0, 2, 3, 1)).reshape(TOK, DIM)
    idx = _tc_indices(zt, weight)
    z_q = _make_sc_gather()(idx, weight)
    return z_q.reshape(NB, 32, 32, DIM), idx

# --- scband reference (transcript-rebuilt; emitter-appended) ---
"""Pipeline reference for scband-vector-quantizer-86517821215082 (READ-ONLY COPY).

The authoritative reference and input builder live on the scoring server;
editing this copy changes nothing except your own understanding.
"""

import jax, jax.numpy as jnp
import numpy as np


def setup_inputs(seed: int = 0) -> dict:
    key = jax.random.key(seed)
    k1, k2 = jax.random.split(key)
    z = jax.random.normal(k1, (16, 256, 32, 32), dtype=jnp.float32)
    n_embed, dim = 1024, 256
    weight = jax.random.uniform(k2, (n_embed, dim), dtype=jnp.float32, minval=-1.0 / n_embed, maxval=1.0 / n_embed)
    return {"z": z, "weight": weight}


def reference(z, weight):
    # rearrange b c h w -> b h w c
    zt = jnp.transpose(z, (0, 2, 3, 1))
    z_flat = zt.reshape(-1, zt.shape[-1])
    # squared L2 distances to codebook entries
    d = (jnp.sum(z_flat ** 2, axis=1, keepdims=True)
         + jnp.sum(weight ** 2, axis=1)
         - 2.0 * jnp.einsum('bd,dn->bn', z_flat, weight.T))
    min_encoding_indices = jnp.argmin(d, axis=1)
    z_q = jnp.take(weight, min_encoding_indices, axis=0).reshape(zt.shape)
    return z_q, min_encoding_indices

if __name__ == "__main__":
    import jax
    _d = setup_inputs()
    print(jax.jit(kernel)(*tuple(_d.values())))

</pallas_src>

<mosaic_0001>
#map = affine_map<(d0, d1) -> (0)>
#map1 = affine_map<(d0, d1) -> (0, 0)>
module attributes {stable_mosaic.version = 14 : i64} {
  func.func @gather_kernel(%arg0: i32, %arg1: i32, %arg2: memref<16384xi32, #tpu.memory_space<hbm>>, %arg3: memref<1024x256xf32, #tpu.memory_space<hbm>>, %arg4: memref<16384x256xf32, #tpu.memory_space<hbm>>, %arg5: memref<2x128xi32, #tpu.memory_space<vmem>>, %arg6: memref<2x128x256xf32, #tpu.memory_space<vmem>>, %arg7: memref<!tpu.dma_semaphore, #tpu.memory_space<semaphore_mem>>, %arg8: memref<!tpu.dma_semaphore, #tpu.memory_space<semaphore_mem>>) attributes {dimension_semantics = [#tpu.dimension_semantics<core_parallel>, #tpu.dimension_semantics<subcore_parallel>], iteration_bounds = array<i64: 2, 16>, scalar_prefetch = 0 : i64, scratch_operands = 4 : i64, tpu.core_type = #tpu.core_type<sc_vector_subcore>, window_params = [{transform_indices = #map}, {transform_indices = #map1}, {transform_indices = #map1}]} {
    %mul3A = arith.constant 2 : i32
    %mul3A_0 = arith.muli %arg1, %mul3A : i32
    %add3A = arith.addi %mul3A_0, %arg0 : i32
    %mul3A_1 = arith.constant 512 : i32
    %mul3A_2 = arith.muli %add3A, %mul3A_1 : i32
    %run_scoped3A = arith.constant 0 : i32
    "tpu.region"() ({
      %run_scoped3A_218 = tpu.sem_alloc : memref<!tpu.dma_semaphore, #tpu.memory_space<semaphore_mem>>
      %dma_start3A_219 = arith.constant 0 : i32
      %dma_start3A_220 = tpu.memref_slice %arg5[%run_scoped3A, %dma_start3A_219] : memref<2x128xi32, #tpu.memory_space<vmem>> -> memref<1x128xi32, #tpu.memory_space<vmem>>
      %dma_start3A_221 = tpu.memref_squeeze %dma_start3A_220 : memref<1x128xi32, #tpu.memory_space<vmem>> -> memref<128xi32, #tpu.memory_space<vmem>>
      %dma_start3A_222 = tpu.memref_slice %arg2[%mul3A_2] : memref<16384xi32, #tpu.memory_space<hbm>> -> memref<128xi32, #tpu.memory_space<hbm>>
      %dma_start3A_223 = arith.constant 0 : i32
      %dma_start3A_224 = tpu.memref_slice %arg5[%run_scoped3A, %dma_start3A_223] : memref<2x128xi32, #tpu.memory_space<vmem>> -> memref<1x128xi32, #tpu.memory_space<vmem>>
      %dma_start3A_225 = tpu.memref_squeeze %dma_start3A_224 : memref<1x128xi32, #tpu.memory_space<vmem>> -> memref<128xi32, #tpu.memory_space<vmem>>
      %dma_start3A_226 = tpu.memref_slice %arg2[%mul3A_2] : memref<16384xi32, #tpu.memory_space<hbm>> -> memref<128xi32, #tpu.memory_space<hbm>>
      tpu.enqueue_dma source(%dma_start3A_226 : memref<128xi32, #tpu.memory_space<hbm>>) target(%dma_start3A_225 : memref<128xi32, #tpu.memory_space<vmem>>) target_semaphore(%run_scoped3A_218 : memref<!tpu.dma_semaphore, #tpu.memory_space<semaphore_mem>>)
      %dma_wait3A_227 = arith.constant 0 : i32
      %dma_wait3A_228 = tpu.memref_slice %arg5[%run_scoped3A, %dma_wait3A_227] : memref<2x128xi32, #tpu.memory_space<vmem>> -> memref<1x128xi32, #tpu.memory_space<vmem>>
      %dma_wait3A_229 = tpu.memref_squeeze %dma_wait3A_228 : memref<1x128xi32, #tpu.memory_space<vmem>> -> memref<128xi32, #tpu.memory_space<vmem>>
      %dma_wait3A_230 = tpu.memref_slice %arg2[%mul3A_2] : memref<16384xi32, #tpu.memory_space<hbm>> -> memref<128xi32, #tpu.memory_space<hbm>>
      %dma_wait3A_231 = arith.constant 0 : i32
      %dma_wait3A_232 = tpu.memref_slice %arg5[%run_scoped3A, %dma_wait3A_231] : memref<2x128xi32, #tpu.memory_space<vmem>> -> memref<1x128xi32, #tpu.memory_space<vmem>>
      %dma_wait3A_233 = tpu.memref_squeeze %dma_wait3A_232 : memref<1x128xi32, #tpu.memory_space<vmem>> -> memref<128xi32, #tpu.memory_space<vmem>>
      %dma_wait3A_234 = tpu.memref_slice %arg2[%mul3A_2] : memref<16384xi32, #tpu.memory_space<hbm>> -> memref<128xi32, #tpu.memory_space<hbm>>
      tpu.wait_dma2 semaphore(%run_scoped3A_218 : memref<!tpu.dma_semaphore, #tpu.memory_space<semaphore_mem>>) src(%dma_wait3A_234 : memref<128xi32, #tpu.memory_space<hbm>>) dst(%dma_wait3A_233 : memref<128xi32, #tpu.memory_space<vmem>>)
      tpu.yield
    }) : () -> ()
    %dma_start3A = arith.constant 0 : i32
    %dma_start3A_3 = arith.constant 0 : i32
    %dma_start3A_4 = arith.constant 0 : i32
    %dma_start3A_5 = arith.constant 0 : i32
    %dma_start3A_6 = tpu.memref_slice %arg6[%dma_start3A_3, %dma_start3A_4, %dma_start3A_5] : memref<2x128x256xf32, #tpu.memory_space<vmem>> -> memref<1x128x256xf32, #tpu.memory_space<vmem>>
    %dma_start3A_7 = tpu.memref_squeeze %dma_start3A_6 : memref<1x128x256xf32, #tpu.memory_space<vmem>> -> memref<128x256xf32, #tpu.memory_space<vmem>>
    %dma_start3A_8 = arith.constant 0 : i32
    %dma_start3A_9 = tpu.memref_slice %arg5[%dma_start3A, %dma_start3A_8] : memref<2x128xi32, #tpu.memory_space<vmem>> -> memref<1x128xi32, #tpu.memory_space<vmem>>
    %dma_start3A_10 = tpu.memref_squeeze %dma_start3A_9 : memref<1x128xi32, #tpu.memory_space<vmem>> -> memref<128xi32, #tpu.memory_space<vmem>>
    %dma_start3A_11 = arith.constant 0 : i32
    %dma_start3A_12 = arith.constant 0 : i32
    %dma_start3A_13 = tpu.memref_slice %arg3[%dma_start3A_11, %dma_start3A_12] : memref<1024x256xf32, #tpu.memory_space<hbm>> -> memref<1024x256xf32, #tpu.memory_space<hbm>>
    tpu.enqueue_indirect_dma source(%dma_start3A_13 : memref<1024x256xf32, #tpu.memory_space<hbm>>) target(%dma_start3A_7 : memref<128x256xf32, #tpu.memory_space<vmem>>) offsets(%dma_start3A_10 : memref<128xi32, #tpu.memory_space<vmem>>) semaphore(%arg7 : memref<!tpu.dma_semaphore, #tpu.memory_space<semaphore_mem>>)
    %add3A_14 = arith.constant 128 : i32
    %add3A_15 = arith.addi %mul3A_2, %add3A_14 : i32
    %run_scoped3A_16 = arith.constant 1 : i32
    "tpu.region"() ({
      %run_scoped3A_218 = tpu.sem_alloc : memref<!tpu.dma_semaphore, #tpu.memory_space<semaphore_mem>>
      %dma_start3A_219 = arith.constant 0 : i32
      %dma_start3A_220 = tpu.memref_slice %arg5[%run_scoped3A_16, %dma_start3A_219] : memref<2x128xi32, #tpu.memory_space<vmem>> -> memref<1x128xi32, #tpu.memory_space<vmem>>
      %dma_start3A_221 = tpu.memref_squeeze %dma_start3A_220 : memref<1x128xi32, #tpu.memory_space<vmem>> -> memref<128xi32, #tpu.memory_space<vmem>>
      %dma_start3A_222 = tpu.memref_slice %arg2[%add3A_15] : memref<16384xi32, #tpu.memory_space<hbm>> -> memref<128xi32, #tpu.memory_space<hbm>>
      %dma_start3A_223 = arith.constant 0 : i32
      %dma_start3A_224 = tpu.memref_slice %arg5[%run_scoped3A_16, %dma_start3A_223] : memref<2x128xi32, #tpu.memory_space<vmem>> -> memref<1x128xi32, #tpu.memory_space<vmem>>
      %dma_start3A_225 = tpu.memref_squeeze %dma_start3A_224 : memref<1x128xi32, #tpu.memory_space<vmem>> -> memref<128xi32, #tpu.memory_space<vmem>>
      %dma_start3A_226 = tpu.memref_slice %arg2[%add3A_15] : memref<16384xi32, #tpu.memory_space<hbm>> -> memref<128xi32, #tpu.memory_space<hbm>>
      tpu.enqueue_dma source(%dma_start3A_226 : memref<128xi32, #tpu.memory_space<hbm>>) target(%dma_start3A_225 : memref<128xi32, #tpu.memory_space<vmem>>) target_semaphore(%run_scoped3A_218 : memref<!tpu.dma_semaphore, #tpu.memory_space<semaphore_mem>>)
      %dma_wait3A_227 = arith.constant 0 : i32
      %dma_wait3A_228 = tpu.memref_slice %arg5[%run_scoped3A_16, %dma_wait3A_227] : memref<2x128xi32, #tpu.memory_space<vmem>> -> memref<1x128xi32, #tpu.memory_space<vmem>>
      %dma_wait3A_229 = tpu.memref_squeeze %dma_wait3A_228 : memref<1x128xi32, #tpu.memory_space<vmem>> -> memref<128xi32, #tpu.memory_space<vmem>>
      %dma_wait3A_230 = tpu.memref_slice %arg2[%add3A_15] : memref<16384xi32, #tpu.memory_space<hbm>> -> memref<128xi32, #tpu.memory_space<hbm>>
      %dma_wait3A_231 = arith.constant 0 : i32
      %dma_wait3A_232 = tpu.memref_slice %arg5[%run_scoped3A_16, %dma_wait3A_231] : memref<2x128xi32, #tpu.memory_space<vmem>> -> memref<1x128xi32, #tpu.memory_space<vmem>>
      %dma_wait3A_233 = tpu.memref_squeeze %dma_wait3A_232 : memref<1x128xi32, #tpu.memory_space<vmem>> -> memref<128xi32, #tpu.memory_space<vmem>>
      %dma_wait3A_234 = tpu.memref_slice %arg2[%add3A_15] : memref<16384xi32, #tpu.memory_space<hbm>> -> memref<128xi32, #tpu.memory_space<hbm>>
      tpu.wait_dma2 semaphore(%run_scoped3A_218 : memref<!tpu.dma_semaphore, #tpu.memory_space<semaphore_mem>>) src(%dma_wait3A_234 : memref<128xi32, #tpu.memory_space<hbm>>) dst(%dma_wait3A_233 : memref<128xi32, #tpu.memory_space<vmem>>)
      tpu.yield
    }) : () -> ()
    %dma_start3A_17 = arith.constant 1 : i32
    %dma_start3A_18 = arith.constant 1 : i32
    %dma_start3A_19 = arith.constant 0 : i32
    %dma_start3A_20 = arith.constant 0 : i32
    %dma_start3A_21 = tpu.memref_slice %arg6[%dma_start3A_18, %dma_start3A_19, %dma_start3A_20] : memref<2x128x256xf32, #tpu.memory_space<vmem>> -> memref<1x128x256xf32, #tpu.memory_space<vmem>>
    %dma_start3A_22 = tpu.memref_squeeze %dma_start3A_21 : memref<1x128x256xf32, #tpu.memory_space<vmem>> -> memref<128x256xf32, #tpu.memory_space<vmem>>
    %dma_start3A_23 = arith.constant 0 : i32
    %dma_start3A_24 = tpu.memref_slice %arg5[%dma_start3A_17, %dma_start3A_23] : memref<2x128xi32, #tpu.memory_space<vmem>> -> memref<1x128xi32, #tpu.memory_space<vmem>>
    %dma_start3A_25 = tpu.memref_squeeze %dma_start3A_24 : memref<1x128xi32, #tpu.memory_space<vmem>> -> memref<128xi32, #tpu.memory_space<vmem>>
    %dma_start3A_26 = arith.constant 0 : i32
    %dma_start3A_27 = arith.constant 0 : i32
    %dma_start3A_28 = tpu.memref_slice %arg3[%dma_start3A_26, %dma_start3A_27] : memref<1024x256xf32, #tpu.memory_space<hbm>> -> memref<1024x256xf32, #tpu.memory_space<hbm>>
    tpu.enqueue_indirect_dma source(%dma_start3A_28 : memref<1024x256xf32, #tpu.memory_space<hbm>>) target(%dma_start3A_22 : memref<128x256xf32, #tpu.memory_space<vmem>>) offsets(%dma_start3A_25 : memref<128xi32, #tpu.memory_space<vmem>>) semaphore(%arg7 : memref<!tpu.dma_semaphore, #tpu.memory_space<semaphore_mem>>)
    %dma_wait3A = arith.constant 0 : i32
    %dma_wait3A_29 = arith.constant 0 : i32
    %dma_wait3A_30 = arith.constant 0 : i32
    %dma_wait3A_31 = arith.constant 0 : i32
    %dma_wait3A_32 = tpu.memref_slice %arg6[%dma_wait3A_29, %dma_wait3A_30, %dma_wait3A_31] : memref<2x128x256xf32, #tpu.memory_space<vmem>> -> memref<1x128x256xf32, #tpu.memory_space<vmem>>
    %dma_wait3A_33 = tpu.memref_squeeze %dma_wait3A_32 : memref<1x128x256xf32, #tpu.memory_space<vmem>> -> memref<128x256xf32, #tpu.memory_space<vmem>>
    %dma_wait3A_34 = arith.constant 0 : i32
    %dma_wait3A_35 = tpu.memref_slice %arg5[%dma_wait3A, %dma_wait3A_34] : memref<2x128xi32, #tpu.memory_space<vmem>> -> memref<1x128xi32, #tpu.memory_space<vmem>>
    %dma_wait3A_36 = tpu.memref_squeeze %dma_wait3A_35 : memref<1x128xi32, #tpu.memory_space<vmem>> -> memref<128xi32, #tpu.memory_space<vmem>>
    %dma_wait3A_37 = arith.constant 0 : i32
    %dma_wait3A_38 = arith.constant 0 : i32
    %dma_wait3A_39 = tpu.memref_slice %arg3[%dma_wait3A_37, %dma_wait3A_38] : memref<1024x256xf32, #tpu.memory_space<hbm>> -> memref<1024x256xf32, #tpu.memory_space<hbm>>
    tpu.wait_indirect_dma semaphore(%arg7 : memref<!tpu.dma_semaphore, #tpu.memory_space<semaphore_mem>>) src(%dma_wait3A_39 : memref<1024x256xf32, #tpu.memory_space<hbm>>) dst(%dma_wait3A_33 : memref<128x256xf32, #tpu.memory_space<vmem>>)
    %add3A_40 = arith.constant 0 : i32
    %add3A_41 = arith.addi %mul3A_2, %add3A_40 : i32
    %dma_start3A_42 = arith.constant 0 : i32
    %dma_start3A_43 = arith.constant 0 : i32
    %dma_start3A_44 = arith.constant 0 : i32
    %dma_start3A_45 = tpu.memref_slice %arg6[%dma_start3A_42, %dma_start3A_43, %dma_start3A_44] : memref<2x128x256xf32, #tpu.memory_space<vmem>> -> memref<1x128x256xf32, #tpu.memory_space<vmem>>
    %dma_start3A_46 = tpu.memref_squeeze %dma_start3A_45 : memref<1x128x256xf32, #tpu.memory_space<vmem>> -> memref<128x256xf32, #tpu.memory_space<vmem>>
    %dma_start3A_47 = arith.constant 0 : i32
    %dma_start3A_48 = tpu.memref_slice %arg4[%add3A_41, %dma_start3A_47] : memref<16384x256xf32, #tpu.memory_space<hbm>> -> memref<128x256xf32, #tpu.memory_space<hbm>>
    %dma_start3A_49 = arith.constant 0 : i32
    %dma_start3A_50 = tpu.memref_slice %arg4[%add3A_41, %dma_start3A_49] : memref<16384x256xf32, #tpu.memory_space<hbm>> -> memref<128x256xf32, #tpu.memory_space<hbm>>
    %dma_start3A_51 = arith.constant 0 : i32
    %dma_start3A_52 = arith.constant 0 : i32
    %dma_start3A_53 = tpu.memref_slice %arg6[%dma_start3A_42, %dma_start3A_51, %dma_start3A_52] : memref<2x128x256xf32, #tpu.memory_space<vmem>> -> memref<1x128x256xf32, #tpu.memory_space<vmem>>
    %dma_start3A_54 = tpu.memref_squeeze %dma_start3A_53 : memref<1x128x256xf32, #tpu.memory_space<vmem>> -> memref<128x256xf32, #tpu.memory_space<vmem>>
    tpu.enqueue_dma source(%dma_start3A_54 : memref<128x256xf32, #tpu.memory_space<vmem>>) target(%dma_start3A_50 : memref<128x256xf32, #tpu.memory_space<hbm>>) target_semaphore(%arg8 : memref<!tpu.dma_semaphore, #tpu.memory_space<semaphore_mem>>)
    %dma_wait3A_55 = arith.constant 0 : i32
    %dma_wait3A_56 = arith.constant 0 : i32
    %dma_wait3A_57 = arith.constant 0 : i32
    %dma_wait3A_58 = tpu.memref_slice %arg6[%dma_wait3A_55, %dma_wait3A_56, %dma_wait3A_57] : memref<2x128x256xf32, #tpu.memory_space<vmem>> -> memref<1x128x256xf32, #tpu.memory_space<vmem>>
    %dma_wait3A_59 = tpu.memref_squeeze %dma_wait3A_58 : memref<1x128x256xf32, #tpu.memory_space<vmem>> -> memref<128x256xf32, #tpu.memory_space<vmem>>
    %dma_wait3A_60 = arith.constant 0 : i32
    %dma_wait3A_61 = tpu.memref_slice %arg4[%add3A_41, %dma_wait3A_60] : memref<16384x256xf32, #tpu.memory_space<hbm>> -> memref<128x256xf32, #tpu.memory_space<hbm>>
    %dma_wait3A_62 = arith.constant 0 : i32
    %dma_wait3A_63 = tpu.memref_slice %arg4[%add3A_41, %dma_wait3A_62] : memref<16384x256xf32, #tpu.memory_space<hbm>> -> memref<128x256xf32, #tpu.memory_space<hbm>>
    %dma_wait3A_64 = arith.constant 0 : i32
    %dma_wait3A_65 = arith.constant 0 : i32
    %dma_wait3A_66 = tpu.memref_slice %arg6[%dma_wait3A_55, %dma_wait3A_64, %dma_wait3A_65] : memref<2x128x256xf32, #tpu.memory_space<vmem>> -> memref<1x128x256xf32, #tpu.memory_space<vmem>>
    %dma_wait3A_67 = tpu.memref_squeeze %dma_wait3A_66 : memref<1x128x256xf32, #tpu.memory_space<vmem>> -> memref<128x256xf32, #tpu.memory_space<vmem>>
    tpu.wait_dma2 semaphore(%arg8 : memref<!tpu.dma_semaphore, #tpu.memory_space<semaphore_mem>>) src(%dma_wait3A_67 : memref<128x256xf32, #tpu.memory_space<vmem>>) dst(%dma_wait3A_63 : memref<128x256xf32, #tpu.memory_space<hbm>>)
    %add3A_68 = arith.constant 256 : i32
    %add3A_69 = arith.addi %mul3A_2, %add3A_68 : i32
    %run_scoped3A_70 = arith.constant 0 : i32
    "tpu.region"() ({
      %run_scoped3A_218 = tpu.sem_alloc : memref<!tpu.dma_semaphore, #tpu.memory_space<semaphore_mem>>
      %dma_start3A_219 = arith.constant 0 : i32
      %dma_start3A_220 = tpu.memref_slice %arg5[%run_scoped3A_70, %dma_start3A_219] : memref<2x128xi32, #tpu.memory_space<vmem>> -> memref<1x128xi32, #tpu.memory_space<vmem>>
      %dma_start3A_221 = tpu.memref_squeeze %dma_start3A_220 : memref<1x128xi32, #tpu.memory_space<vmem>> -> memref<128xi32, #tpu.memory_space<vmem>>
      %dma_start3A_222 = tpu.memref_slice %arg2[%add3A_69] : memref<16384xi32, #tpu.memory_space<hbm>> -> memref<128xi32, #tpu.memory_space<hbm>>
      %dma_start3A_223 = arith.constant 0 : i32
      %dma_start3A_224 = tpu.memref_slice %arg5[%run_scoped3A_70, %dma_start3A_223] : memref<2x128xi32, #tpu.memory_space<vmem>> -> memref<1x128xi32, #tpu.memory_space<vmem>>
      %dma_start3A_225 = tpu.memref_squeeze %dma_start3A_224 : memref<1x128xi32, #tpu.memory_space<vmem>> -> memref<128xi32, #tpu.memory_space<vmem>>
      %dma_start3A_226 = tpu.memref_slice %arg2[%add3A_69] : memref<16384xi32, #tpu.memory_space<hbm>> -> memref<128xi32, #tpu.memory_space<hbm>>
      tpu.enqueue_dma source(%dma_start3A_226 : memref<128xi32, #tpu.memory_space<hbm>>) target(%dma_start3A_225 : memref<128xi32, #tpu.memory_space<vmem>>) target_semaphore(%run_scoped3A_218 : memref<!tpu.dma_semaphore, #tpu.memory_space<semaphore_mem>>)
      %dma_wait3A_227 = arith.constant 0 : i32
      %dma_wait3A_228 = tpu.memref_slice %arg5[%run_scoped3A_70, %dma_wait3A_227] : memref<2x128xi32, #tpu.memory_space<vmem>> -> memref<1x128xi32, #tpu.memory_space<vmem>>
      %dma_wait3A_229 = tpu.memref_squeeze %dma_wait3A_228 : memref<1x128xi32, #tpu.memory_space<vmem>> -> memref<128xi32, #tpu.memory_space<vmem>>
      %dma_wait3A_230 = tpu.memref_slice %arg2[%add3A_69] : memref<16384xi32, #tpu.memory_space<hbm>> -> memref<128xi32, #tpu.memory_space<hbm>>
      %dma_wait3A_231 = arith.constant 0 : i32
      %dma_wait3A_232 = tpu.memref_slice %arg5[%run_scoped3A_70, %dma_wait3A_231] : memref<2x128xi32, #tpu.memory_space<vmem>> -> memref<1x128xi32, #tpu.memory_space<vmem>>
      %dma_wait3A_233 = tpu.memref_squeeze %dma_wait3A_232 : memref<1x128xi32, #tpu.memory_space<vmem>> -> memref<128xi32, #tpu.memory_space<vmem>>
      %dma_wait3A_234 = tpu.memref_slice %arg2[%add3A_69] : memref<16384xi32, #tpu.memory_space<hbm>> -> memref<128xi32, #tpu.memory_space<hbm>>
      tpu.wait_dma2 semaphore(%run_scoped3A_218 : memref<!tpu.dma_semaphore, #tpu.memory_space<semaphore_mem>>) src(%dma_wait3A_234 : memref<128xi32, #tpu.memory_space<hbm>>) dst(%dma_wait3A_233 : memref<128xi32, #tpu.memory_space<vmem>>)
      tpu.yield
    }) : () -> ()
    %dma_start3A_71 = arith.constant 0 : i32
    %dma_start3A_72 = arith.constant 0 : i32
    %dma_start3A_73 = arith.constant 0 : i32
    %dma_start3A_74 = arith.constant 0 : i32
    %dma_start3A_75 = tpu.memref_slice %arg6[%dma_start3A_72, %dma_start3A_73, %dma_start3A_74] : memref<2x128x256xf32, #tpu.memory_space<vmem>> -> memref<1x128x256xf32, #tpu.memory_space<vmem>>
    %dma_start3A_76 = tpu.memref_squeeze %dma_start3A_75 : memref<1x128x256xf32, #tpu.memory_space<vmem>> -> memref<128x256xf32, #tpu.memory_space<vmem>>
    %dma_start3A_77 = arith.constant 0 : i32
    %dma_start3A_78 = tpu.memref_slice %arg5[%dma_start3A_71, %dma_start3A_77] : memref<2x128xi32, #tpu.memory_space<vmem>> -> memref<1x128xi32, #tpu.memory_space<vmem>>
    %dma_start3A_79 = tpu.memref_squeeze %dma_start3A_78 : memref<1x128xi32, #tpu.memory_space<vmem>> -> memref<128xi32, #tpu.memory_space<vmem>>
    %dma_start3A_80 = arith.constant 0 : i32
    %dma_start3A_81 = arith.constant 0 : i32
    %dma_start3A_82 = tpu.memref_slice %arg3[%dma_start3A_80, %dma_start3A_81] : memref<1024x256xf32, #tpu.memory_space<hbm>> -> memref<1024x256xf32, #tpu.memory_space<hbm>>
    tpu.enqueue_indirect_dma source(%dma_start3A_82 : memref<1024x256xf32, #tpu.memory_space<hbm>>) target(%dma_start3A_76 : memref<128x256xf32, #tpu.memory_space<vmem>>) offsets(%dma_start3A_79 : memref<128xi32, #tpu.memory_space<vmem>>) semaphore(%arg7 : memref<!tpu.dma_semaphore, #tpu.memory_space<semaphore_mem>>)
    %dma_wait3A_83 = arith.constant 1 : i32
    %dma_wait3A_84 = arith.constant 1 : i32
    %dma_wait3A_85 = arith.constant 0 : i32
    %dma_wait3A_86 = arith.constant 0 : i32
    %dma_wait3A_87 = tpu.memref_slice %arg6[%dma_wait3A_84, %dma_wait3A_85, %dma_wait3A_86] : memref<2x128x256xf32, #tpu.memory_space<vmem>> -> memref<1x128x256xf32, #tpu.memory_space<vmem>>
    %dma_wait3A_88 = tpu.memref_squeeze %dma_wait3A_87 : memref<1x128x256xf32, #tpu.memory_space<vmem>> -> memref<128x256xf32, #tpu.memory_space<vmem>>
    %dma_wait3A_89 = arith.constant 0 : i32
    %dma_wait3A_90 = tpu.memref_slice %arg5[%dma_wait3A_83, %dma_wait3A_89] : memref<2x128xi32, #tpu.memory_space<vmem>> -> memref<1x128xi32, #tpu.memory_space<vmem>>
    %dma_wait3A_91 = tpu.memref_squeeze %dma_wait3A_90 : memref<1x128xi32, #tpu.memory_space<vmem>> -> memref<128xi32, #tpu.memory_space<vmem>>
    %dma_wait3A_92 = arith.constant 0 : i32
    %dma_wait3A_93 = arith.constant 0 : i32
    %dma_wait3A_94 = tpu.memref_slice %arg3[%dma_wait3A_92, %dma_wait3A_93] : memref<1024x256xf32, #tpu.memory_space<hbm>> -> memref<1024x256xf32, #tpu.memory_space<hbm>>
    tpu.wait_indirect_dma semaphore(%arg7 : memref<!tpu.dma_semaphore, #tpu.memory_space<semaphore_mem>>) src(%dma_wait3A_94 : memref<1024x256xf32, #tpu.memory_space<hbm>>) dst(%dma_wait3A_88 : memref<128x256xf32, #tpu.memory_space<vmem>>)
    %add3A_95 = arith.constant 128 : i32
    %add3A_96 = arith.addi %mul3A_2, %add3A_95 : i32
    %dma_start3A_97 = arith.constant 1 : i32
    %dma_start3A_98 = arith.constant 0 : i32
    %dma_start3A_99 = arith.constant 0 : i32
    %dma_start3A_100 = tpu.memref_slice %arg6[%dma_start3A_97, %dma_start3A_98, %dma_start3A_99] : memref<2x128x256xf32, #tpu.memory_space<vmem>> -> memref<1x128x256xf32, #tpu.memory_space<vmem>>
    %dma_start3A_101 = tpu.memref_squeeze %dma_start3A_100 : memref<1x128x256xf32, #tpu.memory_space<vmem>> -> memref<128x256xf32, #tpu.memory_space<vmem>>
    %dma_start3A_102 = arith.constant 0 : i32
    %dma_start3A_103 = tpu.memref_slice %arg4[%add3A_96, %dma_start3A_102] : memref<16384x256xf32, #tpu.memory_space<hbm>> -> memref<128x256xf32, #tpu.memory_space<hbm>>
    %dma_start3A_104 = arith.constant 0 : i32
    %dma_start3A_105 = tpu.memref_slice %arg4[%add3A_96, %dma_start3A_104] : memref<16384x256xf32, #tpu.memory_space<hbm>> -> memref<128x256xf32, #tpu.memory_space<hbm>>
    %dma_start3A_106 = arith.constant 0 : i32
    %dma_start3A_107 = arith.constant 0 : i32
    %dma_start3A_108 = tpu.memref_slice %arg6[%dma_start3A_97, %dma_start3A_106, %dma_start3A_107] : memref<2x128x256xf32, #tpu.memory_space<vmem>> -> memref<1x128x256xf32, #tpu.memory_space<vmem>>
    %dma_start3A_109 = tpu.memref_squeeze %dma_start3A_108 : memref<1x128x256xf32, #tpu.memory_space<vmem>> -> memref<128x256xf32, #tpu.memory_space<vmem>>
    tpu.enqueue_dma source(%dma_start3A_109 : memref<128x256xf32, #tpu.memory_space<vmem>>) target(%dma_start3A_105 : memref<128x256xf32, #tpu.memory_space<hbm>>) target_semaphore(%arg8 : memref<!tpu.dma_semaphore, #tpu.memory_space<semaphore_mem>>)
    %dma_wait3A_110 = arith.constant 1 : i32
    %dma_wait3A_111 = arith.constant 0 : i32
    %dma_wait3A_112 = arith.constant 0 : i32
    %dma_wait3A_113 = tpu.memref_slice %arg6[%dma_wait3A_110, %dma_wait3A_111, %dma_wait3A_112] : memref<2x128x256xf32, #tpu.memory_space<vmem>> -> memref<1x128x256xf32, #tpu.memory_space<vmem>>
    %dma_wait3A_114 = tpu.memref_squeeze %dma_wait3A_113 : memref<1x128x256xf32, #tpu.memory_space<vmem>> -> memref<128x256xf32, #tpu.memory_space<vmem>>
    %dma_wait3A_115 = arith.constant 0 : i32
    %dma_wait3A_116 = tpu.memref_slice %arg4[%add3A_96, %dma_wait3A_115] : memref<16384x256xf32, #tpu.memory_space<hbm>> -> memref<128x256xf32, #tpu.memory_space<hbm>>
    %dma_wait3A_117 = arith.constant 0 : i32
    %dma_wait3A_118 = tpu.memref_slice %arg4[%add3A_96, %dma_wait3A_117] : memref<16384x256xf32, #tpu.memory_space<hbm>> -> memref<128x256xf32, #tpu.memory_space<hbm>>
    %dma_wait3A_119 = arith.constant 0 : i32
    %dma_wait3A_120 = arith.constant 0 : i32
    %dma_wait3A_121 = tpu.memref_slice %arg6[%dma_wait3A_110, %dma_wait3A_119, %dma_wait3A_120] : memref<2x128x256xf32, #tpu.memory_space<vmem>> -> memref<1x128x256xf32, #tpu.memory_space<vmem>>
    %dma_wait3A_122 = tpu.memref_squeeze %dma_wait3A_121 : memref<1x128x256xf32, #tpu.memory_space<vmem>> -> memref<128x256xf32, #tpu.memory_space<vmem>>
    tpu.wait_dma2 semaphore(%arg8 : memref<!tpu.dma_semaphore, #tpu.memory_space<semaphore_mem>>) src(%dma_wait3A_122 : memref<128x256xf32, #tpu.memory_space<vmem>>) dst(%dma_wait3A_118 : memref<128x256xf32, #tpu.memory_space<hbm>>)
    %add3A_123 = arith.constant 384 : i32
    %add3A_124 = arith.addi %mul3A_2, %add3A_123 : i32
    %run_scoped3A_125 = arith.constant 1 : i32
    "tpu.region"() ({
      %run_scoped3A_218 = tpu.sem_alloc : memref<!tpu.dma_semaphore, #tpu.memory_space<semaphore_mem>>
      %dma_start3A_219 = arith.constant 0 : i32
      %dma_start3A_220 = tpu.memref_slice %arg5[%run_scoped3A_125, %dma_start3A_219] : memref<2x128xi32, #tpu.memory_space<vmem>> -> memref<1x128xi32, #tpu.memory_space<vmem>>
      %dma_start3A_221 = tpu.memref_squeeze %dma_start3A_220 : memref<1x128xi32, #tpu.memory_space<vmem>> -> memref<128xi32, #tpu.memory_space<vmem>>
      %dma_start3A_222 = tpu.memref_slice %arg2[%add3A_124] : memref<16384xi32, #tpu.memory_space<hbm>> -> memref<128xi32, #tpu.memory_space<hbm>>
      %dma_start3A_223 = arith.constant 0 : i32
      %dma_start3A_224 = tpu.memref_slice %arg5[%run_scoped3A_125, %dma_start3A_223] : memref<2x128xi32, #tpu.memory_space<vmem>> -> memref<1x128xi32, #tpu.memory_space<vmem>>
      %dma_start3A_225 = tpu.memref_squeeze %dma_start3A_224 : memref<1x128xi32, #tpu.memory_space<vmem>> -> memref<128xi32, #tpu.memory_space<vmem>>
      %dma_start3A_226 = tpu.memref_slice %arg2[%add3A_124] : memref<16384xi32, #tpu.memory_space<hbm>> -> memref<128xi32, #tpu.memory_space<hbm>>
      tpu.enqueue_dma source(%dma_start3A_226 : memref<128xi32, #tpu.memory_space<hbm>>) target(%dma_start3A_225 : memref<128xi32, #tpu.memory_space<vmem>>) target_semaphore(%run_scoped3A_218 : memref<!tpu.dma_semaphore, #tpu.memory_space<semaphore_mem>>)
      %dma_wait3A_227 = arith.constant 0 : i32
      %dma_wait3A_228 = tpu.memref_slice %arg5[%run_scoped3A_125, %dma_wait3A_227] : memref<2x128xi32, #tpu.memory_space<vmem>> -> memref<1x128xi32, #tpu.memory_space<vmem>>
      %dma_wait3A_229 = tpu.memref_squeeze %dma_wait3A_228 : memref<1x128xi32, #tpu.memory_space<vmem>> -> memref<128xi32, #tpu.memory_space<vmem>>
      %dma_wait3A_230 = tpu.memref_slice %arg2[%add3A_124] : memref<16384xi32, #tpu.memory_space<hbm>> -> memref<128xi32, #tpu.memory_space<hbm>>
      %dma_wait3A_231 = arith.constant 0 : i32
      %dma_wait3A_232 = tpu.memref_slice %arg5[%run_scoped3A_125, %dma_wait3A_231] : memref<2x128xi32, #tpu.memory_space<vmem>> -> memref<1x128xi32, #tpu.memory_space<vmem>>
      %dma_wait3A_233 = tpu.memref_squeeze %dma_wait3A_232 : memref<1x128xi32, #tpu.memory_space<vmem>> -> memref<128xi32, #tpu.memory_space<vmem>>
      %dma_wait3A_234 = tpu.memref_slice %arg2[%add3A_124] : memref<16384xi32, #tpu.memory_space<hbm>> -> memref<128xi32, #tpu.memory_space<hbm>>
      tpu.wait_dma2 semaphore(%run_scoped3A_218 : memref<!tpu.dma_semaphore, #tpu.memory_space<semaphore_mem>>) src(%dma_wait3A_234 : memref<128xi32, #tpu.memory_space<hbm>>) dst(%dma_wait3A_233 : memref<128xi32, #tpu.memory_space<vmem>>)
      tpu.yield
    }) : () -> ()
    %dma_start3A_126 = arith.constant 1 : i32
    %dma_start3A_127 = arith.constant 1 : i32
    %dma_start3A_128 = arith.constant 0 : i32
    %dma_start3A_129 = arith.constant 0 : i32
    %dma_start3A_130 = tpu.memref_slice %arg6[%dma_start3A_127, %dma_start3A_128, %dma_start3A_129] : memref<2x128x256xf32, #tpu.memory_space<vmem>> -> memref<1x128x256xf32, #tpu.memory_space<vmem>>
    %dma_start3A_131 = tpu.memref_squeeze %dma_start3A_130 : memref<1x128x256xf32, #tpu.memory_space<vmem>> -> memref<128x256xf32, #tpu.memory_space<vmem>>
    %dma_start3A_132 = arith.constant 0 : i32
    %dma_start3A_133 = tpu.memref_slice %arg5[%dma_start3A_126, %dma_start3A_132] : memref<2x128xi32, #tpu.memory_space<vmem>> -> memref<1x128xi32, #tpu.memory_space<vmem>>
    %dma_start3A_134 = tpu.memref_squeeze %dma_start3A_133 : memref<1x128xi32, #tpu.memory_space<vmem>> -> memref<128xi32, #tpu.memory_space<vmem>>
    %dma_start3A_135 = arith.constant 0 : i32
    %dma_start3A_136 = arith.constant 0 : i32
    %dma_start3A_137 = tpu.memref_slice %arg3[%dma_start3A_135, %dma_start3A_136] : memref<1024x256xf32, #tpu.memory_space<hbm>> -> memref<1024x256xf32, #tpu.memory_space<hbm>>
    tpu.enqueue_indirect_dma source(%dma_start3A_137 : memref<1024x256xf32, #tpu.memory_space<hbm>>) target(%dma_start3A_131 : memref<128x256xf32, #tpu.memory_space<vmem>>) offsets(%dma_start3A_134 : memref<128xi32, #tpu.memory_space<vmem>>) semaphore(%arg7 : memref<!tpu.dma_semaphore, #tpu.memory_space<semaphore_mem>>)
    %dma_wait3A_138 = arith.constant 0 : i32
    %dma_wait3A_139 = arith.constant 0 : i32
    %dma_wait3A_140 = arith.constant 0 : i32
    %dma_wait3A_141 = arith.constant 0 : i32
    %dma_wait3A_142 = tpu.memref_slice %arg6[%dma_wait3A_139, %dma_wait3A_140, %dma_wait3A_141] : memref<2x128x256xf32, #tpu.memory_space<vmem>> -> memref<1x128x256xf32, #tpu.memory_space<vmem>>
    %dma_wait3A_143 = tpu.memref_squeeze %dma_wait3A_142 : memref<1x128x256xf32, #tpu.memory_space<vmem>> -> memref<128x256xf32, #tpu.memory_space<vmem>>
    %dma_wait3A_144 = arith.constant 0 : i32
    %dma_wait3A_145 = tpu.memref_slice %arg5[%dma_wait3A_138, %dma_wait3A_144] : memref<2x128xi32, #tpu.memory_space<vmem>> -> memref<1x128xi32, #tpu.memory_space<vmem>>
    %dma_wait3A_146 = tpu.memref_squeeze %dma_wait3A_145 : memref<1x128xi32, #tpu.memory_space<vmem>> -> memref<128xi32, #tpu.memory_space<vmem>>
    %dma_wait3A_147 = arith.constant 0 : i32
    %dma_wait3A_148 = arith.constant 0 : i32
    %dma_wait3A_149 = tpu.memref_slice %arg3[%dma_wait3A_147, %dma_wait3A_148] : memref<1024x256xf32, #tpu.memory_space<hbm>> -> memref<1024x256xf32, #tpu.memory_space<hbm>>
    tpu.wait_indirect_dma semaphore(%arg7 : memref<!tpu.dma_semaphore, #tpu.memory_space<semaphore_mem>>) src(%dma_wait3A_149 : memref<1024x256xf32, #tpu.memory_space<hbm>>) dst(%dma_wait3A_143 : memref<128x256xf32, #tpu.memory_space<vmem>>)
    %add3A_150 = arith.constant 256 : i32
    %add3A_151 = arith.addi %mul3A_2, %add3A_150 : i32
    %dma_start3A_152 = arith.constant 0 : i32
    %dma_start3A_153 = arith.constant 0 : i32
    %dma_start3A_154 = arith.constant 0 : i32
    %dma_start3A_155 = tpu.memref_slice %arg6[%dma_start3A_152, %dma_start3A_153, %dma_start3A_154] : memref<2x128x256xf32, #tpu.memory_space<vmem>> -> memref<1x128x256xf32, #tpu.memory_space<vmem>>
    %dma_start3A_156 = tpu.memref_squeeze %dma_start3A_155 : memref<1x128x256xf32, #tpu.memory_space<vmem>> -> memref<128x256xf32, #tpu.memory_space<vmem>>
    %dma_start3A_157 = arith.constant 0 : i32
    %dma_start3A_158 = tpu.memref_slice %arg4[%add3A_151, %dma_start3A_157] : memref<16384x256xf32, #tpu.memory_space<hbm>> -> memref<128x256xf32, #tpu.memory_space<hbm>>
    %dma_start3A_159 = arith.constant 0 : i32
    %dma_start3A_160 = tpu.memref_slice %arg4[%add3A_151, %dma_start3A_159] : memref<16384x256xf32, #tpu.memory_space<hbm>> -> memref<128x256xf32, #tpu.memory_space<hbm>>
    %dma_start3A_161 = arith.constant 0 : i32
    %dma_start3A_162 = arith.constant 0 : i32
    %dma_start3A_163 = tpu.memref_slice %arg6[%dma_start3A_152, %dma_start3A_161, %dma_start3A_162] : memref<2x128x256xf32, #tpu.memory_space<vmem>> -> memref<1x128x256xf32, #tpu.memory_space<vmem>>
    %dma_start3A_164 = tpu.memref_squeeze %dma_start3A_163 : memref<1x128x256xf32, #tpu.memory_space<vmem>> -> memref<128x256xf32, #tpu.memory_space<vmem>>
    tpu.enqueue_dma source(%dma_start3A_164 : memref<128x256xf32, #tpu.memory_space<vmem>>) target(%dma_start3A_160 : memref<128x256xf32, #tpu.memory_space<hbm>>) target_semaphore(%arg8 : memref<!tpu.dma_semaphore, #tpu.memory_space<semaphore_mem>>)
    %dma_wait3A_165 = arith.constant 1 : i32
    %dma_wait3A_166 = arith.constant 1 : i32
    %dma_wait3A_167 = arith.constant 0 : i32
    %dma_wait3A_168 = arith.constant 0 : i32
    %dma_wait3A_169 = tpu.memref_slice %arg6[%dma_wait3A_166, %dma_wait3A_167, %dma_wait3A_168] : memref<2x128x256xf32, #tpu.memory_space<vmem>> -> memref<1x128x256xf32, #tpu.memory_space<vmem>>
    %dma_wait3A_170 = tpu.memref_squeeze %dma_wait3A_169 : memref<1x128x256xf32, #tpu.memory_space<vmem>> -> memref<128x256xf32, #tpu.memory_space<vmem>>
    %dma_wait3A_171 = arith.constant 0 : i32
    %dma_wait3A_172 = tpu.memref_slice %arg5[%dma_wait3A_165, %dma_wait3A_171] : memref<2x128xi32, #tpu.memory_space<vmem>> -> memref<1x128xi32, #tpu.memory_space<vmem>>
    %dma_wait3A_173 = tpu.memref_squeeze %dma_wait3A_172 : memref<1x128xi32, #tpu.memory_space<vmem>> -> memref<128xi32, #tpu.memory_space<vmem>>
    %dma_wait3A_174 = arith.constant 0 : i32
    %dma_wait3A_175 = arith.constant 0 : i32
    %dma_wait3A_176 = tpu.memref_slice %arg3[%dma_wait3A_174, %dma_wait3A_175] : memref<1024x256xf32, #tpu.memory_space<hbm>> -> memref<1024x256xf32, #tpu.memory_space<hbm>>
    tpu.wait_indirect_dma semaphore(%arg7 : memref<!tpu.dma_semaphore, #tpu.memory_space<semaphore_mem>>) src(%dma_wait3A_176 : memref<1024x256xf32, #tpu.memory_space<hbm>>) dst(%dma_wait3A_170 : memref<128x256xf32, #tpu.memory_space<vmem>>)
    %add3A_177 = arith.constant 384 : i32
    %add3A_178 = arith.addi %mul3A_2, %add3A_177 : i32
    %dma_start3A_179 = arith.constant 1 : i32
    %dma_start3A_180 = arith.constant 0 : i32
    %dma_start3A_181 = arith.constant 0 : i32
    %dma_start3A_182 = tpu.memref_slice %arg6[%dma_start3A_179, %dma_start3A_180, %dma_start3A_181] : memref<2x128x256xf32, #tpu.memory_space<vmem>> -> memref<1x128x256xf32, #tpu.memory_space<vmem>>
    %dma_start3A_183 = tpu.memref_squeeze %dma_start3A_182 : memref<1x128x256xf32, #tpu.memory_space<vmem>> -> memref<128x256xf32, #tpu.memory_space<vmem>>
    %dma_start3A_184 = arith.constant 0 : i32
    %dma_start3A_185 = tpu.memref_slice %arg4[%add3A_178, %dma_start3A_184] : memref<16384x256xf32, #tpu.memory_space<hbm>> -> memref<128x256xf32, #tpu.memory_space<hbm>>
    %dma_start3A_186 = arith.constant 0 : i32
    %dma_start3A_187 = tpu.memref_slice %arg4[%add3A_178, %dma_start3A_186] : memref<16384x256xf32, #tpu.memory_space<hbm>> -> memref<128x256xf32, #tpu.memory_space<hbm>>
    %dma_start3A_188 = arith.constant 0 : i32
    %dma_start3A_189 = arith.constant 0 : i32
    %dma_start3A_190 = tpu.memref_slice %arg6[%dma_start3A_179, %dma_start3A_188, %dma_start3A_189] : memref<2x128x256xf32, #tpu.memory_space<vmem>> -> memref<1x128x256xf32, #tpu.memory_space<vmem>>
    %dma_start3A_191 = tpu.memref_squeeze %dma_start3A_190 : memref<1x128x256xf32, #tpu.memory_space<vmem>> -> memref<128x256xf32, #tpu.memory_space<vmem>>
    tpu.enqueue_dma source(%dma_start3A_191 : memref<128x256xf32, #tpu.memory_space<vmem>>) target(%dma_start3A_187 : memref<128x256xf32, #tpu.memory_space<hbm>>) target_semaphore(%arg8 : memref<!tpu.dma_semaphore, #tpu.memory_space<semaphore_mem>>)
    %dma_wait3A_192 = arith.constant 0 : i32
    %dma_wait3A_193 = arith.constant 0 : i32
    %dma_wait3A_194 = arith.constant 0 : i32
    %dma_wait3A_195 = tpu.memref_slice %arg6[%dma_wait3A_192, %dma_wait3A_193, %dma_wait3A_194] : memref<2x128x256xf32, #tpu.memory_space<vmem>> -> memref<1x128x256xf32, #tpu.memory_space<vmem>>
    %dma_wait3A_196 = tpu.memref_squeeze %dma_wait3A_195 : memref<1x128x256xf32, #tpu.memory_space<vmem>> -> memref<128x256xf32, #tpu.memory_space<vmem>>
    %dma_wait3A_197 = arith.constant 0 : i32
    %dma_wait3A_198 = tpu.memref_slice %arg4[%add3A_151, %dma_wait3A_197] : memref<16384x256xf32, #tpu.memory_space<hbm>> -> memref<128x256xf32, #tpu.memory_space<hbm>>
    %dma_wait3A_199 = arith.constant 0 : i32
    %dma_wait3A_200 = tpu.memref_slice %arg4[%add3A_151, %dma_wait3A_199] : memref<16384x256xf32, #tpu.memory_space<hbm>> -> memref<128x256xf32, #tpu.memory_space<hbm>>
    %dma_wait3A_201 = arith.constant 0 : i32
    %dma_wait3A_202 = arith.constant 0 : i32
    %dma_wait3A_203 = tpu.memref_slice %arg6[%dma_wait3A_192, %dma_wait3A_201, %dma_wait3A_202] : memref<2x128x256xf32, #tpu.memory_space<vmem>> -> memref<1x128x256xf32, #tpu.memory_space<vmem>>
    %dma_wait3A_204 = tpu.memref_squeeze %dma_wait3A_203 : memref<1x128x256xf32, #tpu.memory_space<vmem>> -> memref<128x256xf32, #tpu.memory_space<vmem>>
    tpu.wait_dma2 semaphore(%arg8 : memref<!tpu.dma_semaphore, #tpu.memory_space<semaphore_mem>>) src(%dma_wait3A_204 : memref<128x256xf32, #tpu.memory_space<vmem>>) dst(%dma_wait3A_200 : memref<128x256xf32, #tpu.memory_space<hbm>>)
    %dma_wait3A_205 = arith.constant 1 : i32
    %dma_wait3A_206 = arith.constant 0 : i32
    %dma_wait3A_207 = arith.constant 0 : i32
    %dma_wait3A_208 = tpu.memref_slice %arg6[%dma_wait3A_205, %dma_wait3A_206, %dma_wait3A_207] : memref<2x128x256xf32, #tpu.memory_space<vmem>> -> memref<1x128x256xf32, #tpu.memory_space<vmem>>
    %dma_wait3A_209 = tpu.memref_squeeze %dma_wait3A_208 : memref<1x128x256xf32, #tpu.memory_space<vmem>> -> memref<128x256xf32, #tpu.memory_space<vmem>>
    %dma_wait3A_210 = arith.constant 0 : i32
    %dma_wait3A_211 = tpu.memref_slice %arg4[%add3A_178, %dma_wait3A_210] : memref<16384x256xf32, #tpu.memory_space<hbm>> -> memref<128x256xf32, #tpu.memory_space<hbm>>
    %dma_wait3A_212 = arith.constant 0 : i32
    %dma_wait3A_213 = tpu.memref_slice %arg4[%add3A_178, %dma_wait3A_212] : memref<16384x256xf32, #tpu.memory_space<hbm>> -> memref<128x256xf32, #tpu.memory_space<hbm>>
    %dma_wait3A_214 = arith.constant 0 : i32
    %dma_wait3A_215 = arith.constant 0 : i32
    %dma_wait3A_216 = tpu.memref_slice %arg6[%dma_wait3A_205, %dma_wait3A_214, %dma_wait3A_215] : memref<2x128x256xf32, #tpu.memory_space<vmem>> -> memref<1x128x256xf32, #tpu.memory_space<vmem>>
    %dma_wait3A_217 = tpu.memref_squeeze %dma_wait3A_216 : memref<1x128x256xf32, #tpu.memory_space<vmem>> -> memref<128x256xf32, #tpu.memory_space<vmem>>
    tpu.wait_dma2 semaphore(%arg8 : memref<!tpu.dma_semaphore, #tpu.memory_space<semaphore_mem>>) src(%dma_wait3A_217 : memref<128x256xf32, #tpu.memory_space<vmem>>) dst(%dma_wait3A_213 : memref<128x256xf32, #tpu.memory_space<hbm>>)
    return
  }
}

module attributes {stable_mosaic.version = 14 : i64} {
  func.func @_tc_body(%arg0: i32, %arg1: memref<2048x256xf32, #tpu.memory_space<vmem>>, %arg2: memref<1024x256xf32, #tpu.memory_space<vmem>>, %arg3: memref<1x1x2048xi32, #tpu.memory_space<vmem>>) attributes {dimension_semantics = [#tpu.dimension_semantics<arbitrary>], iteration_bounds = array<i64: 8>, scalar_prefetch = 0 : i64, scratch_operands = 0 : i64, tpu.core_type = #tpu.core_type<tc>, window_params = [{transform_indices = @transform_0, window_bounds = array<i64: 2048, 256>}, {pipeline_mode = #tpu.pipeline_mode<synchronous>, transform_indices = @transform_1, window_bounds = array<i64: 1024, 256>}, {transform_indices = @transform_2, window_bounds = array<i64: 1, 1, 2048>}]} {
    %get3A = arith.constant 0 : index
    %get3A_0 = arith.constant 0 : index
    %get3A_1 = vector.load %arg2[%get3A, %get3A_0] : memref<1024x256xf32, #tpu.memory_space<vmem>>, vector<1024x256xf32>
    %mul3A = arith.mulf %get3A_1, %get3A_1 : vector<1024x256xf32>
    %reduce_sum3A = arith.constant dense<0.000000e+00> : vector<1024xf32>
    %reduce_sum3A_2 = vector.multi_reduction <add>, %mul3A, %reduce_sum3A [1] : vector<1024x256xf32> to vector<1024xf32>
    %get3A_3 = arith.constant 0 : index
    %get3A_4 = arith.constant 0 : index
    %get3A_5 = vector.load %arg1[%get3A_3, %get3A_4] : memref<2048x256xf32, #tpu.memory_space<vmem>>, vector<2048x256xf32>
    %transpose3A = tpu.transpose %get3A_5, [1, 0] : vector<2048x256xf32> -> vector<256x2048xf32>
    %mul3A_6 = arith.mulf %transpose3A, %transpose3A : vector<256x2048xf32>
    %reduce_sum3A_7 = arith.constant dense<0.000000e+00> : vector<2048xf32>
    %reduce_sum3A_8 = vector.multi_reduction <add>, %mul3A_6, %reduce_sum3A_7 [0] : vector<256x2048xf32> to vector<2048xf32>
    %dot_general3A = arith.constant dense<0.000000e+00> : vector<1024x2048xf32>
    %dot_general3A_9 = tpu.matmul %get3A_1, %transpose3A, %dot_general3A {dimension_numbers = #tpu.dot_dimension_numbers<[1], [0], [0], [1], [0, 0, 1, 1], [], []>, transpose_lhs_hint = false} : vector<1024x256xf32>, vector<256x2048xf32>, vector<1024x2048xf32> -> vector<1024x2048xf32>
    %broadcast_in_dim3A = vector.shape_cast %reduce_sum3A_8 : vector<2048xf32> to vector<1x2048xf32>
    %broadcast_in_dim3A_10 = vector.shape_cast %reduce_sum3A_2 : vector<1024xf32> to vector<1024x1xf32>
    %add3A = vector.broadcast %broadcast_in_dim3A : vector<1x2048xf32> to vector<1024x2048xf32>
    %add3A_11 = vector.broadcast %broadcast_in_dim3A_10 : vector<1024x1xf32> to vector<1024x2048xf32>
    %add3A_12 = arith.addf %add3A, %add3A_11 : vector<1024x2048xf32>
    %mul3A_13 = arith.constant 2.000000e+00 : f32
    %mul3A_14 = vector.broadcast %mul3A_13 : f32 to vector<1024x2048xf32>
    %mul3A_15 = arith.mulf %mul3A_14, %dot_general3A_9 : vector<1024x2048xf32>
    %sub3A = arith.subf %add3A_12, %mul3A_15 : vector<1024x2048xf32>
    %reduce_min3A = arith.constant dense<0x7F800000> : vector<2048xf32>
    %reduce_min3A_16 = vector.multi_reduction <minimumf>, %sub3A, %reduce_min3A [0] : vector<1024x2048xf32> to vector<2048xf32>
    %broadcast_in_dim3A_17 = vector.shape_cast %reduce_min3A_16 : vector<2048xf32> to vector<1x2048xf32>
    %iota3A = tpu.iota {dimensions = array<i32: 0>} : vector<1024x2048xi32>
    %eq3A = vector.broadcast %broadcast_in_dim3A_17 : vector<1x2048xf32> to vector<1024x2048xf32>
    %eq3A_18 = arith.cmpf oeq, %sub3A, %eq3A : vector<1024x2048xf32>
    %jit3A = arith.constant 1024 : i32
    %broadcast_in_dim3A_19 = vector.broadcast %jit3A : i32 to vector<1024x2048xi32>
    %select_n3A = arith.select %eq3A_18, %iota3A, %broadcast_in_dim3A_19 : vector<1024x2048xi1>, vector<1024x2048xi32>
    %reduce_min3A_20 = arith.constant dense<2147483647> : vector<2048xi32>
    %reduce_min3A_21 = vector.multi_reduction <minsi>, %select_n3A, %reduce_min3A_20 [0] : vector<1024x2048xi32> to vector<2048xi32>
    %swap3A = arith.constant 0 : index
    %swap3A_22 = arith.constant 0 : index
    %swap3A_23 = arith.constant 0 : index
    %swap3A_24 = vector.load %arg3[%swap3A, %swap3A_22, %swap3A_23] : memref<1x1x2048xi32, #tpu.memory_space<vmem>>, vector<1x1x2048xi32>
    %swap3A_25 = vector.shape_cast %swap3A_24 : vector<1x1x2048xi32> to vector<2048xi32>
    %swap3A_26 = vector.shape_cast %reduce_min3A_21 : vector<2048xi32> to vector<1x1x2048xi32>
    tpu.vector_store %arg3[%swap3A, %swap3A_22, %swap3A_23], %swap3A_26 {strides = array<i32>} : memref<1x1x2048xi32, #tpu.memory_space<vmem>>, vector<1x1x2048xi32>,
    return
  }
  func.func @transform_0(%arg0: i32) -> (i32, i32) {
    %c0_i32 = arith.constant 0 : i32
    %c0_i32_0 = arith.constant 0 : i32
    return %arg0, %c0_i32 : i32, i32
  }
  func.func @transform_1(%arg0: i32) -> (i32, i32) {
    %c0_i32 = arith.constant 0 : i32
    %c0_i32_0 = arith.constant 0 : i32
    %c0_i32_1 = arith.constant 0 : i32
    return %c0_i32, %c0_i32_0 : i32, i32
  }
  func.func @transform_2(%arg0: i32) -> (i32, i32, i32) {
    %c0_i32 = arith.constant 0 : i32
    %c0_i32_0 = arith.constant 0 : i32
    %c0_i32_1 = arith.constant 0 : i32
    return %arg0, %c0_i32, %c0_i32_0 : i32, i32, i32
  }
}

</mosaic_0001>

<sc_bundles>
// kernel: kernel.4.cloned.1.call-start
scs
__scs_entry_jumppad:
0x0: {  	(pc) =	sbr.rel $0x88, $3  }
0x1: {  	(tag) =	ssettag $0x0;
	lr =	simm.s32 $0x1  }
0x2: {  	[smem:$0x3F9F] =	sst lr;
	_ =	strace $0xD0000000  }
0x3: {  	_ = 	snop  }
0x4: {  	_ = 	snop  }
0x5: {  	_ = 	snop  }
0x6: {  	_ = 	snop  }
0x7: {  	_ = 	snop  }
__scs_overlays_trampoline_lowered:
0x8: {  	[smem:$0x3FAE] =	sst s0  }
0x9: {  	[smem:$0x3FAF] =	sst s1  }
0xa: {  	[smem:$0x3FB0] =	sst s2  }
0xb: {  	[smem:$0x3FB1] =	sst s3  }
0xc: {  	[smem:$0x3FB2] =	sst s4  }
0xd: {  	[smem:$0x3FB3] =	sst s5  }
0xe: {  	[smem:$0x3FB4] =	sst s6  }
0xf: {  	[smem:$0x3FB5] =	sst s7  }
0x10: {  	[smem:$0x3FB6] =	sst s8  }
0x11: {  	[smem:$0x3FB7] =	sst s9;
	s0 =	simm.s32 @!p0 $0x0  }
0x12: {  	s1 =	sld [smem:$0x3F9D];
	s0 =	simm.s32 @p0 $0x1  }
0x13: {  	[smem:$0x3FB8] =	sst s0;
	s0 =	simm.s32 @!p1 $0x0  }
0x14: {  	s2 =	sld [smem:$0x3F9C];
	s0 =	simm.s32 @p1 $0x1  }
0x15: {  	[smem:$0x3FB9] =	sst s0;
	s0 =	simm.s32 @!p2 $0x0  }
0x16: {  	s3 =	sld [smem:$0x3FDB];
	s0 =	simm.s32 @p2 $0x1  }
0x17: {  	s4 =	simm.s32 $0x1BF5;
	[smem:$0x3FBB] =	sst s0  }
0x18: {  	s0 =	sld [smem:$0x3F9E];
	_ =	swait.ge [sflag:s4], $0x0  }
0x19: {  	s7 =	sld [smem:$0x3F9F]  }
0x1a: {  	s8 =	sadd.s32 $0xFFFFE003, lr  }
0x1b: {  	s9 =	sadd.s32 $0xFFFFFEF7, lr;
	s5 =	simm.s32 $0xFFFFFFFF;
	p2 =	slt.u32 s8, $0xFFFFF086  }
0x1c: {  	p1 =	slt.u32 s9, $0xF7A;
	s5 =	simm.s32 @!p2 $0x0  }
0x1d: {  	s5 =	simm.s32 @p1 $0x1;
	p0 =	seq.s32 s7, s2  }
0x1e: {  	s7 =	smul.u32 @!p0 $0xF7A, s2;
	p2 =	seq.s32 @!p0 s5, $0x0  }
0x1f: {  	s9 =	smul.u32 $0xF7A, s1;
	s8 =	simm.s32 @!p0 $0x1BF5;
	p2 =	por !p2, p0  }
0x20: {  	[sflag:s8] =	ssyncset.s32 @!p0 $0xFFFFF086;
	s6 =	sadd.s32 @!p0 s3, s7;
	s7 =	simm.s32 @!p0 $0x108  }
0x21: {  	s3 =	sadd.s32 s3, s9;
	s6 =	sadd.s32 @!p0 $0x88, s6;
	s7 =	simm.s32 @p2 $0x1082  }
0x22: {  	[simem:s7], [sflag:s8] =	dma.local @!p0 [hbm:s6], $0xF7A  }
0x23: {  	s9 =	sor.u32 $0xD0000000, s2;
	s6 =	simm.s32 $0x108;
	_ =	swait.ge @!p0 [sflag:s8], $0x0  }
0x24: {  	s3 =	sadd.s32 $0x88, s3;
	s6 =	simm.s32 @!p1 $0x1082;
	[sflag:s4] =	ssyncset.s32 $0xFFFFF086  }
0x25: {  	[simem:s6], [sflag:s4] =	dma.local [hbm:s3], $0xF7A  }
0x26: {  	[smem:$0x3F9F] =	sst s1;
	(tag) =	ssettag s2;
	_ =	strace s9  }
0x27: {  	s1 =	sld [smem:$0x3FAF]  }
0x28: {  	s2 =	sld [smem:$0x3FB0]  }
0x29: {  	s4 =	sld [smem:$0x3FB2]  }
0x2a: {  	p0 =	seq.s32 s5, $0x0;
	s5 =	sld [smem:$0x3FB3]  }
0x2b: {  	s6 =	sld [smem:$0x3FB4]  }
0x2c: {  	s7 =	sld [smem:$0x3FB5]  }
0x2d: {  	s3 =	simm.s32 $0x108;
	s8 =	sld [smem:$0x3FB6]  }
0x2e: {  	s3 =	simm.s32 @!p0 $0x1082;
	s9 =	sld [smem:$0x3FB7]  }
0x2f: {  	lr =	sadd.s32 s0, s3;
	s0 =	sld [smem:$0x3FAE]  }
0x30: {  	s3 =	sld [smem:$0x3FB1]  }
0x31: {  	[smem:$0x3FBA] =	sst s10  }
0x32: {  	s10 =	sld [smem:$0x3FB8];
	_ =	sdelay $0x3  }
0x33: {  	p0 =	seq.s32 s10, $0x1;
	s10 =	sld [smem:$0x3FBA];
	_ =	sdelay $0x3  }
0x34: {  	[smem:$0x3FBA] =	sst s10  }
0x35: {  	s10 =	sld [smem:$0x3FB9];
	_ =	sdelay $0x3  }
0x36: {  	p1 =	seq.s32 s10, $0x1;
	s10 =	sld [smem:$0x3FBA];
	_ =	sdelay $0x3  }
0x37: {  	[smem:$0x3FBA] =	sst s10  }
0x38: {  	s10 =	sld [smem:$0x3FBB]  }
0x39: {  	_ = 	snop;
	(pc) =	sbr.ind lr, $3  }
0x3a: {  	_ = 	snop  }
0x3b: {  	_ = 	snop  }
0x3c: {  	p2 =	seq.s32 s10, $0x1;
	s10 =	sld [smem:$0x3FBA]  }
0x3d: {  	_ =	shalt  }
0x3e: {  	_ =	shalt  }
0x3f: {  	_ =	shalt  }
0x40: {  	_ =	shalt  }
0x41: {  	_ =	shalt  }
0x42: {  	_ =	shalt  }
0x43: {  	_ =	shalt  }
0x44: {  	_ =	shalt  }
0x45: {  	_ =	shalt  }
0x46: {  	_ =	shalt  }
0x47: {  	_ =	shalt  }
0x48: {  	_ =	shalt  }
0x49: {  	_ =	shalt  }
0x4a: {  	_ =	shalt  }
0x4b: {  	_ =	shalt  }
0x4c: {  	_ =	shalt  }
0x4d: {  	_ =	shalt  }
0x4e: {  	_ =	shalt  }
0x4f: {  	_ =	shalt  }
0x50: {  	_ =	shalt  }
0x51: {  	_ =	shalt  }
0x52: {  	_ =	shalt  }
0x53: {  	_ =	shalt  }
0x54: {  	_ =	shalt  }
0x55: {  	_ =	shalt  }
0x56: {  	_ =	shalt  }
0x57: {  	_ =	shalt  }
0x58: {  	_ =	shalt  }
0x59: {  	_ =	shalt  }
0x5a: {  	_ =	shalt  }
0x5b: {  	_ =	shalt  }
0x5c: {  	_ =	shalt  }
0x5d: {  	_ =	shalt  }
0x5e: {  	_ =	shalt  }
0x5f: {  	_ =	shalt  }
0x60: {  	_ =	shalt  }
0x61: {  	_ =	shalt  }
0x62: {  	_ =	shalt  }
0x63: {  	_ =	shalt  }
0x64: {  	_ =	shalt  }
0x65: {  	_ =	shalt  }
0x66: {  	_ =	shalt  }
0x67: {  	_ =	shalt  }
0x68: {  	_ =	shalt  }
0x69: {  	_ =	shalt  }
0x6a: {  	_ =	shalt  }
0x6b: {  	_ =	shalt  }
0x6c: {  	_ =	shalt  }
0x6d: {  	_ =	shalt  }
0x6e: {  	_ =	shalt  }
0x6f: {  	_ =	shalt  }
0x70: {  	_ =	shalt  }
0x71: {  	_ =	shalt  }
0x72: {  	_ =	shalt  }
0x73: {  	_ =	shalt  }
0x74: {  	_ =	shalt  }
0x75: {  	_ =	shalt  }
0x76: {  	_ =	shalt  }
0x77: {  	_ =	shalt  }
0x78: {  	_ =	shalt  }
0x79: {  	_ =	shalt  }
0x7a: {  	_ =	shalt  }
0x7b: {  	_ =	shalt  }
0x7c: {  	_ =	shalt  }
0x7d: {  	_ =	shalt  }
0x7e: {  	_ =	shalt  }
0x7f: {  	_ =	shalt  }
0x80: {  	_ =	shalt  }
0x81: {  	_ =	shalt  }
0x82: {  	_ =	shalt  }
0x83: {  	_ =	shalt  }
0x84: {  	_ =	shalt  }
0x85: {  	_ =	shalt  }
0x86: {  	_ =	shalt  }
0x87: {  	_ =	shalt  }
.Lfunc_end0:
.L_simem_size_0:
called_computation_lowered:
.L_overlay_start_0:
0x88: {  	s2 =	sld [smem:$0x3FD9]  }
0x89: {  	s3 =	sld [smem:$0x3FFE];
	_ =	sdelay $0x1  }
0x8a: {  	s1 =	srdreg.scid  }
0x8b: {  	s0 =	sand.u32 $0x1, s1  }
0x8c: {  	s15 =	sshll.u32 s0, $0xA;
	s2 =	sadd.s32 s3, s2  }
0x8d: {  	s2 =	sadd.s32 s2, s15  }
0x8e: {  	[smem:$0x3FC6] =	sst s2  }
0x8f: {  	_ = 	snop  }
0x90: {  	s2 =	sld [smem:$0x3FD0];
	_ =	sdelay $0x2  }
0x91: {  	s4 =	simm.s32 $0xA;
	s5 =	simm.s32 $0x10;
	s16 =	sld [smem:$0x3FC8]  }
0x92: {  	[smem:s5], [sflag:s4] =	dma.local [hbm:s2], $0x1  }
0x93: {  	_ =	swait.eq [sflag:s4], $0x1  }
0x94: {  	[sflag:s4] =	ssyncset.done $0x0  }
0x95: {  	s17 =	sld [smem:$0x10];
	[sflag:s4] =	ssyncadd.s32 $0xFFFFFFFF  }
0x96: {  	s18 =	sld [smem:$0x11];
	(tm) =	ssettm $0x1  }
0x97: {  	s19 =	sld [smem:$0x3FFB];
	_ =	sdelay $0x3  }
0x98: {  	_ =	strace s19  }
0x99: {  	s5 =	sld [smem:$0x3FFC];
	_ =	sdelay $0x3  }
0x9a: {  	_ =	strace s5  }
0x9b: {  	s5 =	sld [smem:$0x3FFD];
	_ =	sdelay $0x3  }
0x9c: {  	_ =	strace s5  }
0x9d: {  	_ =	strace $0x8FFFFFFF  }
0x9e: {  	s20 =	sld [smem:$0x3FDB];
	_ =	sdelay $0x1  }
0x9f: {  	s6 =	simm.s32 $_scs_section_size  }
0xa0: {  	s7 =	simm.s32 $_size__tile_overlayer_lowered;
	s8 =	simm.s32 $_tile_overlayer_lowered  }
0xa1: {  	s23 =	simm.s32 $0x1BFF;
	s22 =	sshll.u32 s8, $0x1;
	s5 =	sadd.s32 s6, s20  }
0xa2: {  	s9 =	simm.s32 $0x0;
	s21 =	sshll.u32 s7, $0x1;
	s7 =	sadd.s32 s22, s5  }
0xa3: {  	[timem:s9], [sflag:s23] =	dma.local [hbm:s7], s21  }
0xa4: {  	_ =	swait.ge [sflag:s23], s21  }
0xa5: {  	s6 =	ssub.s32 $0x0, s21;
	[sflag:s23] =	ssyncset.done $0x0  }
0xa6: {  	[sflag:s23] =	ssyncadd.s32 s6;
	_ =	sdelay $0x1  }
0xa7: {  	s24 =	simm.s32 $0x1B8B  }
0xa8: {  	_ =	swait.ge [sflag:s24], $0x1  }
0xa9: {  	[sflag:s24] =	ssyncset.done $0x0  }
0xaa: {  	s25 =	simm.s32 $0x1B8E;
	[sflag:s24] =	ssyncadd.s32 $0xFFFFFFFF  }
0xab: {  	s26 =	simm.s32 $execute0_lowered;
	[smem:$0x3FD2] =	sst s25  }
0xac: {  	s6 =	sshll.u32 s26, $0x1;
	_ =	strace $0x80000046;
	[dreg:$0x1] =	wrdreg $0xFFFFFFFF  }
0xad: {  	s28 =	simm.s32 $_size_execute0_lowered;
	s5 =	sadd.s32 s5, s6;
	[dreg:$0x0] =	wrdreg $0x0  }
0xae: {  	s6 =	sshll.u32 s28, $0x1;
	[dreg:$0x2] =	wrdreg s5  }
0xaf: {  	[dreg:$0x3] =	wrdreg s6  }
0xb0: {  	[dreg:$0x4] =	wrdreg $0xC0  }
0xb1: {  	_ =	task [dreg:s9], $0x5FFFF  }
0xb2: {  	[dreg:$0x1] =	wrdreg $0xFFFFFFFF  }
0xb3: {  	[dreg:$0x0] =	wrdreg $0x60  }
0xb4: {  	[dreg:$0x2] =	wrdreg s18  }
0xb5: {  	[dreg:$0x3] =	wrdreg s16  }
0xb6: {  	[dreg:$0x4] =	wrdreg s17  }
0xb7: {  	[dreg:$0x5] =	wrdreg $0x9  }
0xb8: {  	_ =	task.clear_ibuf [dreg:s9], $0x6FFFF;
	_ =	strace $0x90000046  }
0xb9: {  	s29 =	simm.s32 $0x9;
	_ =	strace $0x80000048  }
0xba: {  	_ =	swait.ge [sflag:s29], $0x1  }
0xbb: {  	[sflag:s29] =	ssyncadd.s32 $0xFFFFFFFF  }
0xbc: {  	_ =	strace $0x90000048  }
0xbd: {  	_ =	sfence  }
0xbe: {  	s30 =	sld [smem:$0x0];
	_ =	sdelay $0x2  }
0xbf: {  	s31 =	sshll.u32 s1, $0xD;
	s1 =	sshrl.u32 s1, $0x2  }
0xc0: {  	s3 =	sand.u32 $0x4000, s31;
	s1 =	sadd.s32 s1, s30  }
0xc1: {  	s0 =	sor.u32 s3, s0;
	s1 =	sshll.u32 s1, $0x11  }
0xc2: {  	s0 =	sor.u32 s1, s0  }
0xc3: {  	s0 =	sadd.s32 $0x8F2B, s0  }
0xc4: {  	[sflag:s0] =	ssyncadd.remote.s32 $0x1  }
0xc5: {  	_ =	sfence.sel $0xFFFF  }
0xc6: {  	[dreg:$0x0] =	wrdreg $0xFFFFFFFF;
	(pc) =	sbr.abs _section_cstart, $3  }
0xc7: {  	[dreg:$0x1] =	wrdreg $0xFFFFFFFF  }
0xc8: {  	_ =	task.clear_ibuf [dreg:s9], $0x2FFFF;
	_ =	strace $0x9FFFFFFF  }
0xc9: {  	(tm) =	ssettm $0x7FFFFFFF  }
tec
execute0_lowered:
.L_overlay_start_1:
0x0: {  	(tag) =	ssettag $0x1  }
0x1: {  	s0 =	rddreg [dreg:$0x0]  }
0x2: {  	s2 =	rddreg [dreg:$0x1]  }
0x3: {  	s1 =	rddreg [dreg:$0x2]  }
0x4: {  	s3 =	srdreg.scid;
	s5 =	stileid.u32;
	s13 =	simm.s32 $0x1  }
0x5: {  	s14 =	simm.s32 $0x2;
	s16 =	simm.s32 $0x900;
	s28 =	simm.s32 $0x5900  }
0x6: {  	s29 =	simm.s32 $0x6100;
	s30 =	simm.s32 $0x6900;
	s31 =	simm.s32 $0x7100  }
0x7: {  	s10 =	simm.s32 $0xA100;
	s11 =	simm.s32 $0xA900;
	s12 =	simm.s32 $0xB100  }
0x8: {  	s4 =	sand.u32 $0x1, s3;
	s3 =	simm.s32 $0x0;
	s5 =	sshll.u32 s5, $0xA  }
0x9: {  	s6 =	sshll.u32 s4, $0x9;
	[smem:$0x7FF] =	sst s3;
	s4 =	ssub.s32 $0x2, s4  }
0xa: {  	s5 =	sor.u32 s6, s5;
	_ =	strace $0x80000047;
	s9 =	sshrl.u32 s4, $0x1  }
0xb: {  	s6 =	sshrl.u32 s5, $0x3;
	s7 =	sor.u32 $0x80, s5;
	s18 =	sshll.u32 s5, $0x5  }
0xc: {  	s20 =	sor.u32 $0x100, s5;
	s5 =	sor.u32 $0x180, s5;
	s4 =	ssub.s32 s4, s9  }
0xd: {  	s9 =	simm.s32 $0x9900;
	s6 =	sadd.s32 s0, s6;
	s8 =	sshrl.u32 s7, $0x3  }
0xe: {  	s19 =	sadd.s32 s1, s18;
	s21 =	sshrl.u32 s20, $0x3;
	s7 =	sshll.u32 s7, $0x5  }
0xf: {  	s23 =	sshrl.u32 s5, $0x3;
	s24 =	sshll.u32 s20, $0x5;
	s5 =	sshll.u32 s5, $0x5  }
0x10: {  	s4 =	smax.u32 s4, $0x1;
	s18 =	simm.s32 $0x1900;
	[dreg:$0x4] =	wrdreg s6  }
0x11: {  	s20 =	simm.s32 $0x2900;
	s17 =	sadd.s32 s0, s8;
	[dreg:$0x6] =	wrdreg s19  }
0x12: {  	s6 =	sadd.s32 s0, s21;
	s22 =	sadd.s32 s1, s7;
	s0 =	sadd.s32 s0, s23  }
0x13: {  	s25 =	sadd.s32 s1, s24;
	s26 =	sadd.s32 s1, s5;
	[dreg:$0x5] =	wrdreg s17  }
0x14: {  	s5 =	simm.s32 $0x3;
	s19 =	simm.s32 $0x2100;
	[dreg:$0x7] =	wrdreg s6  }
0x15: {  	s21 =	simm.s32 $0x3100;
	s24 =	simm.s32 $0x4100;
	[dreg:$0x8] =	wrdreg s22  }
0x16: {  	s23 =	simm.s32 $0x80;
	s1 =	simm.s32 $0x8100;
	[dreg:$0x9] =	wrdreg s0  }
0x17: {  	v2 =	vlaneseq.u32;
	s7 =	simm.s32 $0x8900;
	s8 =	simm.s32 $0x9100;
	[dreg:$0xa] =	wrdreg s25  }
0x18: {  	vm0 =	vmmov $0xffff;
	v1 =	vshrl.u32 v2, $0x3;
	[dreg:$0xb] =	wrdreg s26;
	s17 =	simm.s32 $0x1100;
	s22 =	simm.s32 $0x3900  }
0x19: {  	v0 =	vand.u32 $0x7, v2;
	v2 =	vor.u32 $0x8, v2;
	v1 =	vmul.u32 $0x8, v1;
	s25 =	simm.s32 $0x4900;
	s26 =	simm.s32 $0x5100;
	s6 =	simm.s32 $0x7900  }
.LBB2_1:
0x1a: {  	s15 =	rddreg [dreg:$0x4]  }
0x1b: {  	[tilespmem:s3], [sflag:$0x3] =	stream.linear.gather [hbm4b:s15+s3], $0x80, $0x38;
	[tilespmem:$0x10100] =	vst v63  }
0x1c: {  	_ =	swait.ge [sflag:s5], $0x80  }
0x1d: {  	[sflag:s5] =	ssyncset.done $0x0  }
0x1e: {  	[sflag:s5] =	ssyncadd.s32 $0xFFFFFF80  }
0x1f: {  	v3 =	vld [tilespmem:$0x0];
	_ =	sdelay $0x4  }
0x20: {  	v4 =	vshll.u32 v3, $0x1  }
0x21: {  	v3 =	vand.u32 $0x7, v3;
	v4 =	vand.u32 $0xFFFFFFF0, v4  }
0x22: {  	v3 =	vor.u32 v3, v4  }
0x23: {  	v4 =	vperm.xlane v3, v0;
	_ =	sdelay $0x1  }
0x24: {  	v3 =	vperm.xlane v3, v2;
	v4 =	vadd.s32 v1, v4;
	_ =	sdelay $0x1  }
0x25: {  	v3 =	vadd.s32 v1, v3;
	_ =	sdelay $0x1  }
0x26: {  	s0 =	simm.s32 $0x100  }
0x27: {  	[tilespmem:s0], [sflag:$0x1] =	stream.indirect_vreg.gather [hbm4b:s2+s3], $0x80, v4, vm0, $0xb8;
	[tilespmem:$0x10100] =	vst v63  }
0x28: {  	_ = 	snop  }
0x29: {  	[tilespmem:s16], [sflag:$0x1] =	stream.indirect_vreg.gather [hbm4b:s2+s3], $0x80, v3, vm0, $0xb8;
	[tilespmem:$0x10100] =	vst v63  }
0x2a: {  	v3 =	vld [tilespmem:$0x10];
	_ =	sdelay $0x4  }
0x2b: {  	v33 =	vshll.u32 v3, $0x1  }
0x2c: {  	v3 =	vand.u32 $0x7, v3;
	v4 =	vand.u32 $0xFFFFFFF0, v33  }
0x2d: {  	v3 =	vor.u32 v3, v4  }
0x2e: {  	v4 =	vperm.xlane v3, v0;
	_ =	sdelay $0x1  }
0x2f: {  	v3 =	vperm.xlane v3, v2;
	v4 =	vadd.s32 v1, v4;
	_ =	sdelay $0x1  }
0x30: {  	v3 =	vadd.s32 v1, v3;
	_ =	sdelay $0x2  }
0x31: {  	[tilespmem:s17], [sflag:$0x1] =	stream.indirect_vreg.gather [hbm4b:s2+s3], $0x80, v4, vm0, $0xb8;
	[tilespmem:$0x10100] =	vst v63  }
0x32: {  	_ = 	snop  }
0x33: {  	[tilespmem:s18], [sflag:$0x1] =	stream.indirect_vreg.gather [hbm4b:s2+s3], $0x80, v3, vm0, $0xb8;
	[tilespmem:$0x10100] =	vst v63  }
0x34: {  	v3 =	vld [tilespmem:$0x20];
	_ =	sdelay $0x4  }
0x35: {  	v34 =	vshll.u32 v3, $0x1  }
0x36: {  	v3 =	vand.u32 $0x7, v3;
	v4 =	vand.u32 $0xFFFFFFF0, v34  }
0x37: {  	v3 =	vor.u32 v3, v4  }
0x38: {  	v4 =	vperm.xlane v3, v0;
	_ =	sdelay $0x1  }
0x39: {  	v3 =	vperm.xlane v3, v2;
	v4 =	vadd.s32 v1, v4;
	_ =	sdelay $0x1  }
0x3a: {  	v3 =	vadd.s32 v1, v3;
	_ =	sdelay $0x2  }
0x3b: {  	[tilespmem:s19], [sflag:$0x1] =	stream.indirect_vreg.gather [hbm4b:s2+s3], $0x80, v4, vm0, $0xb8;
	[tilespmem:$0x10100] =	vst v63  }
0x3c: {  	_ = 	snop  }
0x3d: {  	[tilespmem:s20], [sflag:$0x1] =	stream.indirect_vreg.gather [hbm4b:s2+s3], $0x80, v3, vm0, $0xb8;
	[tilespmem:$0x10100] =	vst v63  }
0x3e: {  	v3 =	vld [tilespmem:$0x30];
	_ =	sdelay $0x4  }
0x3f: {  	v35 =	vshll.u32 v3, $0x1  }
0x40: {  	v3 =	vand.u32 $0x7, v3;
	v4 =	vand.u32 $0xFFFFFFF0, v35  }
0x41: {  	v3 =	vor.u32 v3, v4  }
0x42: {  	v4 =	vperm.xlane v3, v0;
	_ =	sdelay $0x1  }
0x43: {  	v3 =	vperm.xlane v3, v2;
	v4 =	vadd.s32 v1, v4;
	_ =	sdelay $0x1  }
0x44: {  	v3 =	vadd.s32 v1, v3;
	_ =	sdelay $0x2  }
0x45: {  	[tilespmem:s21], [sflag:$0x1] =	stream.indirect_vreg.gather [hbm4b:s2+s3], $0x80, v4, vm0, $0xb8;
	[tilespmem:$0x10100] =	vst v63  }
0x46: {  	_ = 	snop  }
0x47: {  	[tilespmem:s22], [sflag:$0x1] =	stream.indirect_vreg.gather [hbm4b:s2+s3], $0x80, v3, vm0, $0xb8;
	[tilespmem:$0x10100] =	vst v63  }
0x48: {  	v3 =	vld [tilespmem:$0x40];
	_ =	sdelay $0x4  }
0x49: {  	v36 =	vshll.u32 v3, $0x1  }
0x4a: {  	v3 =	vand.u32 $0x7, v3;
	v4 =	vand.u32 $0xFFFFFFF0, v36  }
0x4b: {  	v3 =	vor.u32 v3, v4  }
0x4c: {  	v4 =	vperm.xlane v3, v0;
	_ =	sdelay $0x1  }
0x4d: {  	v3 =	vperm.xlane v3, v2;
	v4 =	vadd.s32 v1, v4;
	_ =	sdelay $0x1  }
0x4e: {  	v3 =	vadd.s32 v1, v3;
	_ =	sdelay $0x2  }
0x4f: {  	[tilespmem:s24], [sflag:$0x1] =	stream.indirect_vreg.gather [hbm4b:s2+s3], $0x80, v4, vm0, $0xb8;
	[tilespmem:$0x10100] =	vst v63  }
0x50: {  	_ = 	snop  }
0x51: {  	[tilespmem:s25], [sflag:$0x1] =	stream.indirect_vreg.gather [hbm4b:s2+s3], $0x80, v3, vm0, $0xb8;
	[tilespmem:$0x10100] =	vst v63  }
0x52: {  	v3 =	vld [tilespmem:$0x50];
	_ =	sdelay $0x4  }
0x53: {  	v37 =	vshll.u32 v3, $0x1  }
0x54: {  	v3 =	vand.u32 $0x7, v3;
	v4 =	vand.u32 $0xFFFFFFF0, v37  }
0x55: {  	v3 =	vor.u32 v3, v4  }
0x56: {  	v4 =	vperm.xlane v3, v0;
	_ =	sdelay $0x1  }
0x57: {  	v3 =	vperm.xlane v3, v2;
	v4 =	vadd.s32 v1, v4;
	_ =	sdelay $0x1  }
0x58: {  	v3 =	vadd.s32 v1, v3;
	_ =	sdelay $0x2  }
0x59: {  	[tilespmem:s26], [sflag:$0x1] =	stream.indirect_vreg.gather [hbm4b:s2+s3], $0x80, v4, vm0, $0xb8;
	[tilespmem:$0x10100] =	vst v63  }
0x5a: {  	_ = 	snop  }
0x5b: {  	[tilespmem:s28], [sflag:$0x1] =	stream.indirect_vreg.gather [hbm4b:s2+s3], $0x80, v3, vm0, $0xb8;
	[tilespmem:$0x10100] =	vst v63  }
0x5c: {  	v3 =	vld [tilespmem:$0x60];
	_ =	sdelay $0x4  }
0x5d: {  	v38 =	vshll.u32 v3, $0x1  }
0x5e: {  	v3 =	vand.u32 $0x7, v3;
	v4 =	vand.u32 $0xFFFFFFF0, v38  }
0x5f: {  	v3 =	vor.u32 v3, v4  }
0x60: {  	v4 =	vperm.xlane v3, v0;
	_ =	sdelay $0x1  }
0x61: {  	v3 =	vperm.xlane v3, v2;
	v4 =	vadd.s32 v1, v4;
	_ =	sdelay $0x1  }
0x62: {  	v3 =	vadd.s32 v1, v3;
	_ =	sdelay $0x2  }
0x63: {  	[tilespmem:s29], [sflag:$0x1] =	stream.indirect_vreg.gather [hbm4b:s2+s3], $0x80, v4, vm0, $0xb8;
	[tilespmem:$0x10100] =	vst v63  }
0x64: {  	_ = 	snop  }
0x65: {  	[tilespmem:s30], [sflag:$0x1] =	stream.indirect_vreg.gather [hbm4b:s2+s3], $0x80, v3, vm0, $0xb8;
	[tilespmem:$0x10100] =	vst v63  }
0x66: {  	v3 =	vld [tilespmem:$0x70];
	_ =	sdelay $0x4  }
0x67: {  	v39 =	vshll.u32 v3, $0x1  }
0x68: {  	v3 =	vand.u32 $0x7, v3;
	v4 =	vand.u32 $0xFFFFFFF0, v39  }
0x69: {  	v3 =	vor.u32 v3, v4  }
0x6a: {  	v4 =	vperm.xlane v3, v0;
	_ =	sdelay $0x1  }
0x6b: {  	v3 =	vperm.xlane v3, v2;
	v4 =	vadd.s32 v1, v4;
	_ =	sdelay $0x1  }
0x6c: {  	v3 =	vadd.s32 v1, v3;
	_ =	sdelay $0x2  }
0x6d: {  	[tilespmem:s31], [sflag:$0x1] =	stream.indirect_vreg.gather [hbm4b:s2+s3], $0x80, v4, vm0, $0xb8;
	[tilespmem:$0x10100] =	vst v63  }
0x6e: {  	_ = 	snop  }
0x6f: {  	[tilespmem:s6], [sflag:$0x1] =	stream.indirect_vreg.gather [hbm4b:s2+s3], $0x80, v3, vm0, $0xb8;
	[tilespmem:$0x10100] =	vst v63  }
0x70: {  	s0 =	rddreg [dreg:$0x5]  }
0x71: {  	[tilespmem:s23], [sflag:$0x3] =	stream.linear.gather [hbm4b:s0+s3], $0x80, $0x38;
	[tilespmem:$0x10100] =	vst v63  }
0x72: {  	_ =	swait.ge [sflag:s5], $0x80  }
0x73: {  	[sflag:s5] =	ssyncset.done $0x0  }
0x74: {  	[sflag:s5] =	ssyncadd.s32 $0xFFFFFF80  }
0x75: {  	v3 =	vld [tilespmem:$0x80];
	_ =	sdelay $0x4  }
0x76: {  	v40 =	vshll.u32 v3, $0x1  }
0x77: {  	v3 =	vand.u32 $0x7, v3;
	v4 =	vand.u32 $0xFFFFFFF0, v40  }
0x78: {  	v3 =	vor.u32 v3, v4  }
0x79: {  	v4 =	vperm.xlane v3, v0;
	_ =	sdelay $0x1  }
0x7a: {  	v3 =	vperm.xlane v3, v2;
	v4 =	vadd.s32 v1, v4;
	_ =	sdelay $0x1  }
0x7b: {  	v3 =	vadd.s32 v1, v3;
	_ =	sdelay $0x2  }
0x7c: {  	[tilespmem:s1], [sflag:$0x1] =	stream.indirect_vreg.gather [hbm4b:s2+s3], $0x80, v4, vm0, $0xb8;
	[tilespmem:$0x10100] =	vst v63  }
0x7d: {  	_ = 	snop  }
0x7e: {  	[tilespmem:s7], [sflag:$0x1] =	stream.indirect_vreg.gather [hbm4b:s2+s3], $0x80, v3, vm0, $0xb8;
	[tilespmem:$0x10100] =	vst v63  }
0x7f: {  	v3 =	vld [tilespmem:$0x90];
	_ =	sdelay $0x4  }
0x80: {  	v41 =	vshll.u32 v3, $0x1  }
0x81: {  	v3 =	vand.u32 $0x7, v3;
	v4 =	vand.u32 $0xFFFFFFF0, v41  }
0x82: {  	v3 =	vor.u32 v3, v4  }
0x83: {  	v4 =	vperm.xlane v3, v0;
	_ =	sdelay $0x1  }
0x84: {  	v3 =	vperm.xlane v3, v2;
	v4 =	vadd.s32 v1, v4;
	_ =	sdelay $0x1  }
0x85: {  	v3 =	vadd.s32 v1, v3;
	_ =	sdelay $0x2  }
0x86: {  	[tilespmem:s8], [sflag:$0x1] =	stream.indirect_vreg.gather [hbm4b:s2+s3], $0x80, v4, vm0, $0xb8;
	[tilespmem:$0x10100] =	vst v63  }
0x87: {  	_ = 	snop  }
0x88: {  	[tilespmem:s9], [sflag:$0x1] =	stream.indirect_vreg.gather [hbm4b:s2+s3], $0x80, v3, vm0, $0xb8;
	[tilespmem:$0x10100] =	vst v63  }
0x89: {  	v3 =	vld [tilespmem:$0xA0];
	_ =	sdelay $0x4  }
0x8a: {  	v42 =	vshll.u32 v3, $0x1  }
0x8b: {  	v3 =	vand.u32 $0x7, v3;
	v4 =	vand.u32 $0xFFFFFFF0, v42  }
0x8c: {  	v3 =	vor.u32 v3, v4  }
0x8d: {  	v4 =	vperm.xlane v3, v0;
	_ =	sdelay $0x1  }
0x8e: {  	v3 =	vperm.xlane v3, v2;
	v4 =	vadd.s32 v1, v4;
	_ =	sdelay $0x1  }
0x8f: {  	v3 =	vadd.s32 v1, v3;
	_ =	sdelay $0x2  }
0x90: {  	[tilespmem:s10], [sflag:$0x1] =	stream.indirect_vreg.gather [hbm4b:s2+s3], $0x80, v4, vm0, $0xb8;
	[tilespmem:$0x10100] =	vst v63  }
0x91: {  	_ = 	snop  }
0x92: {  	[tilespmem:s11], [sflag:$0x1] =	stream.indirect_vreg.gather [hbm4b:s2+s3], $0x80, v3, vm0, $0xb8;
	[tilespmem:$0x10100] =	vst v63  }
0x93: {  	v3 =	vld [tilespmem:$0xB0];
	_ =	sdelay $0x4  }
0x94: {  	v43 =	vshll.u32 v3, $0x1  }
0x95: {  	v3 =	vand.u32 $0x7, v3;
	v4 =	vand.u32 $0xFFFFFFF0, v43  }
0x96: {  	v3 =	vor.u32 v3, v4  }
0x97: {  	v4 =	vperm.xlane v3, v0;
	_ =	sdelay $0x1  }
0x98: {  	v3 =	vperm.xlane v3, v2;
	v4 =	vadd.s32 v1, v4;
	_ =	sdelay $0x1  }
0x99: {  	v3 =	vadd.s32 v1, v3;
	_ =	sdelay $0x2  }
0x9a: {  	[tilespmem:s12], [sflag:$0x1] =	stream.indirect_vreg.gather [hbm4b:s2+s3], $0x80, v4, vm0, $0xb8;
	[tilespmem:$0x10100] =	vst v63  }
0x9b: {  	s15 =	simm.s32 $0xB900  }
0x9c: {  	[tilespmem:s15], [sflag:$0x1] =	stream.indirect_vreg.gather [hbm4b:s2+s3], $0x80, v3, vm0, $0xb8;
	[tilespmem:$0x10100] =	vst v63  }
0x9d: {  	v3 =	vld [tilespmem:$0xC0];
	_ =	sdelay $0x4  }
0x9e: {  	v44 =	vshll.u32 v3, $0x1  }
0x9f: {  	v3 =	vand.u32 $0x7, v3;
	v4 =	vand.u32 $0xFFFFFFF0, v44  }
0xa0: {  	v3 =	vor.u32 v3, v4  }
0xa1: {  	v4 =	vperm.xlane v3, v0;
	_ =	sdelay $0x1  }
0xa2: {  	v3 =	vperm.xlane v3, v2;
	v4 =	vadd.s32 v1, v4;
	_ =	sdelay $0x1  }
0xa3: {  	v3 =	vadd.s32 v1, v3;
	_ =	sdelay $0x1  }
0xa4: {  	s15 =	simm.s32 $0xC100  }
0xa5: {  	[tilespmem:s15], [sflag:$0x1] =	stream.indirect_vreg.gather [hbm4b:s2+s3], $0x80, v4, vm0, $0xb8;
	[tilespmem:$0x10100] =	vst v63  }
0xa6: {  	s15 =	simm.s32 $0xC900  }
0xa7: {  	[tilespmem:s15], [sflag:$0x1] =	stream.indirect_vreg.gather [hbm4b:s2+s3], $0x80, v3, vm0, $0xb8;
	[tilespmem:$0x10100] =	vst v63  }
0xa8: {  	v3 =	vld [tilespmem:$0xD0];
	_ =	sdelay $0x4  }
0xa9: {  	v45 =	vshll.u32 v3, $0x1  }
0xaa: {  	v3 =	vand.u32 $0x7, v3;
	v4 =	vand.u32 $0xFFFFFFF0, v45  }
0xab: {  	v3 =	vor.u32 v3, v4  }
0xac: {  	v4 =	vperm.xlane v3, v0;
	_ =	sdelay $0x1  }
0xad: {  	v3 =	vperm.xlane v3, v2;
	v4 =	vadd.s32 v1, v4;
	_ =	sdelay $0x1  }
0xae: {  	v3 =	vadd.s32 v1, v3;
	_ =	sdelay $0x1  }
0xaf: {  	s15 =	simm.s32 $0xD100  }
0xb0: {  	[tilespmem:s15], [sflag:$0x1] =	stream.indirect_vreg.gather [hbm4b:s2+s3], $0x80, v4, vm0, $0xb8;
	[tilespmem:$0x10100] =	vst v63  }
0xb1: {  	s15 =	simm.s32 $0xD900  }
0xb2: {  	[tilespmem:s15], [sflag:$0x1] =	stream.indirect_vreg.gather [hbm4b:s2+s3], $0x80, v3, vm0, $0xb8;
	[tilespmem:$0x10100] =	vst v63  }
0xb3: {  	v3 =	vld [tilespmem:$0xE0];
	_ =	sdelay $0x4  }
0xb4: {  	v46 =	vshll.u32 v3, $0x1  }
0xb5: {  	v3 =	vand.u32 $0x7, v3;
	v4 =	vand.u32 $0xFFFFFFF0, v46  }
0xb6: {  	v3 =	vor.u32 v3, v4  }
0xb7: {  	v4 =	vperm.xlane v3, v0;
	_ =	sdelay $0x1  }
0xb8: {  	v3 =	vperm.xlane v3, v2;
	v4 =	vadd.s32 v1, v4;
	_ =	sdelay $0x1  }
0xb9: {  	v3 =	vadd.s32 v1, v3;
	_ =	sdelay $0x1  }
0xba: {  	s15 =	simm.s32 $0xE100  }
0xbb: {  	[tilespmem:s15], [sflag:$0x1] =	stream.indirect_vreg.gather [hbm4b:s2+s3], $0x80, v4, vm0, $0xb8;
	[tilespmem:$0x10100] =	vst v63  }
0xbc: {  	s15 =	simm.s32 $0xE900  }
0xbd: {  	[tilespmem:s15], [sflag:$0x1] =	stream.indirect_vreg.gather [hbm4b:s2+s3], $0x80, v3, vm0, $0xb8;
	[tilespmem:$0x10100] =	vst v63  }
0xbe: {  	v3 =	vld [tilespmem:$0xF0];
	_ =	sdelay $0x4  }
0xbf: {  	v47 =	vshll.u32 v3, $0x1  }
0xc0: {  	v3 =	vand.u32 $0x7, v3;
	v4 =	vand.u32 $0xFFFFFFF0, v47  }
0xc1: {  	v3 =	vor.u32 v3, v4  }
0xc2: {  	v4 =	vperm.xlane v3, v0;
	_ =	sdelay $0x1  }
0xc3: {  	v3 =	vperm.xlane v3, v2;
	v4 =	vadd.s32 v1, v4;
	_ =	sdelay $0x1  }
0xc4: {  	v3 =	vadd.s32 v1, v3;
	_ =	sdelay $0x1  }
0xc5: {  	s15 =	simm.s32 $0xF100  }
0xc6: {  	[tilespmem:s15], [sflag:$0x1] =	stream.indirect_vreg.gather [hbm4b:s2+s3], $0x80, v4, vm0, $0xb8;
	[tilespmem:$0x10100] =	vst v63  }
0xc7: {  	s15 =	simm.s32 $0xF900  }
0xc8: {  	[tilespmem:s15], [sflag:$0x1] =	stream.indirect_vreg.gather [hbm4b:s2+s3], $0x80, v3, vm0, $0xb8;
	[tilespmem:$0x10100] =	vst v63  }
0xc9: {  	_ =	swait.ge [sflag:s13], $0x8000  }
0xca: {  	[sflag:s13] =	ssyncset.done $0x0  }
0xcb: {  	s0 =	simm.s32 $0x100;
	s15 =	rddreg [dreg:$0x6];
	[sflag:s13] =	ssyncadd.s32 $0xFFFF8000  }
0xcc: {  	[hbm4b:s15+s3] =	stream.linear.scatter [tilespmem:s0], [sflag:$0x2], $0x8000, $0x38;
	[tilespmem:$0x10100] =	vst v63  }
0xcd: {  	_ =	swait.ge [sflag:s14], $0x8000  }
0xce: {  	[sflag:s14] =	ssyncset.done $0x0  }
0xcf: {  	s15 =	rddreg [dreg:$0x7];
	[sflag:s14] =	ssyncadd.s32 $0xFFFF8000  }
0xd0: {  	[tilespmem:s3], [sflag:$0x3] =	stream.linear.gather [hbm4b:s15+s3], $0x80, $0x38;
	[tilespmem:$0x10100] =	vst v63  }
0xd1: {  	_ =	swait.ge [sflag:s5], $0x80  }
0xd2: {  	[sflag:s5] =	ssyncset.done $0x0  }
0xd3: {  	[sflag:s5] =	ssyncadd.s32 $0xFFFFFF80  }
0xd4: {  	v3 =	vld [tilespmem:$0x0];
	_ =	sdelay $0x4  }
0xd5: {  	v48 =	vshll.u32 v3, $0x1  }
0xd6: {  	v3 =	vand.u32 $0x7, v3;
	v4 =	vand.u32 $0xFFFFFFF0, v48  }
0xd7: {  	v3 =	vor.u32 v3, v4  }
0xd8: {  	v4 =	vperm.xlane v3, v0;
	_ =	sdelay $0x1  }
0xd9: {  	v3 =	vperm.xlane v3, v2;
	v4 =	vadd.s32 v1, v4;
	_ =	sdelay $0x1  }
0xda: {  	v3 =	vadd.s32 v1, v3;
	_ =	sdelay $0x2  }
0xdb: {  	[tilespmem:s0], [sflag:$0x1] =	stream.indirect_vreg.gather [hbm4b:s2+s3], $0x80, v4, vm0, $0xb8;
	[tilespmem:$0x10100] =	vst v63  }
0xdc: {  	_ = 	snop  }
0xdd: {  	[tilespmem:s16], [sflag:$0x1] =	stream.indirect_vreg.gather [hbm4b:s2+s3], $0x80, v3, vm0, $0xb8;
	[tilespmem:$0x10100] =	vst v63  }
0xde: {  	v3 =	vld [tilespmem:$0x10];
	_ =	sdelay $0x4  }
0xdf: {  	v49 =	vshll.u32 v3, $0x1  }
0xe0: {  	v3 =	vand.u32 $0x7, v3;
	v4 =	vand.u32 $0xFFFFFFF0, v49  }
0xe1: {  	v3 =	vor.u32 v3, v4  }
0xe2: {  	v4 =	vperm.xlane v3, v0;
	_ =	sdelay $0x1  }
0xe3: {  	v3 =	vperm.xlane v3, v2;
	v4 =	vadd.s32 v1, v4;
	_ =	sdelay $0x1  }
0xe4: {  	v3 =	vadd.s32 v1, v3;
	_ =	sdelay $0x2  }
0xe5: {  	[tilespmem:s17], [sflag:$0x1] =	stream.indirect_vreg.gather [hbm4b:s2+s3], $0x80, v4, vm0, $0xb8;
	[tilespmem:$0x10100] =	vst v63  }
0xe6: {  	_ = 	snop  }
0xe7: {  	[tilespmem:s18], [sflag:$0x1] =	stream.indirect_vreg.gather [hbm4b:s2+s3], $0x80, v3, vm0, $0xb8;
	[tilespmem:$0x10100] =	vst v63  }
0xe8: {  	v3 =	vld [tilespmem:$0x20];
	_ =	sdelay $0x4  }
0xe9: {  	v50 =	vshll.u32 v3, $0x1  }
0xea: {  	v3 =	vand.u32 $0x7, v3;
	v4 =	vand.u32 $0xFFFFFFF0, v50  }
0xeb: {  	v3 =	vor.u32 v3, v4  }
0xec: {  	v4 =	vperm.xlane v3, v0;
	_ =	sdelay $0x1  }
0xed: {  	v3 =	vperm.xlane v3, v2;
	v4 =	vadd.s32 v1, v4;
	_ =	sdelay $0x1  }
0xee: {  	v3 =	vadd.s32 v1, v3;
	_ =	sdelay $0x2  }
0xef: {  	[tilespmem:s19], [sflag:$0x1] =	stream.indirect_vreg.gather [hbm4b:s2+s3], $0x80, v4, vm0, $0xb8;
	[tilespmem:$0x10100] =	vst v63  }
0xf0: {  	_ = 	snop  }
0xf1: {  	[tilespmem:s20], [sflag:$0x1] =	stream.indirect_vreg.gather [hbm4b:s2+s3], $0x80, v3, vm0, $0xb8;
	[tilespmem:$0x10100] =	vst v63  }
0xf2: {  	v3 =	vld [tilespmem:$0x30];
	_ =	sdelay $0x4  }
0xf3: {  	v51 =	vshll.u32 v3, $0x1  }
0xf4: {  	v3 =	vand.u32 $0x7, v3;
	v4 =	vand.u32 $0xFFFFFFF0, v51  }
0xf5: {  	v3 =	vor.u32 v3, v4  }
0xf6: {  	v4 =	vperm.xlane v3, v0;
	_ =	sdelay $0x1  }
0xf7: {  	v3 =	vperm.xlane v3, v2;
	v4 =	vadd.s32 v1, v4;
	_ =	sdelay $0x1  }
0xf8: {  	v3 =	vadd.s32 v1, v3;
	_ =	sdelay $0x2  }
0xf9: {  	[tilespmem:s21], [sflag:$0x1] =	stream.indirect_vreg.gather [hbm4b:s2+s3], $0x80, v4, vm0, $0xb8;
	[tilespmem:$0x10100] =	vst v63  }
0xfa: {  	_ = 	snop  }
0xfb: {  	[tilespmem:s22], [sflag:$0x1] =	stream.indirect_vreg.gather [hbm4b:s2+s3], $0x80, v3, vm0, $0xb8;
	[tilespmem:$0x10100] =	vst v63  }
0xfc: {  	v3 =	vld [tilespmem:$0x40];
	_ =	sdelay $0x4  }
0xfd: {  	v52 =	vshll.u32 v3, $0x1  }
0xfe: {  	v3 =	vand.u32 $0x7, v3;
	v4 =	vand.u32 $0xFFFFFFF0, v52  }
0xff: {  	v3 =	vor.u32 v3, v4  }
0x100: {  	v4 =	vperm.xlane v3, v0;
	_ =	sdelay $0x1  }
0x101: {  	v3 =	vperm.xlane v3, v2;
	v4 =	vadd.s32 v1, v4;
	_ =	sdelay $0x1  }
0x102: {  	v3 =	vadd.s32 v1, v3;
	_ =	sdelay $0x2  }
0x103: {  	[tilespmem:s24], [sflag:$0x1] =	stream.indirect_vreg.gather [hbm4b:s2+s3], $0x80, v4, vm0, $0xb8;
	[tilespmem:$0x10100] =	vst v63  }
0x104: {  	_ = 	snop  }
0x105: {  	[tilespmem:s25], [sflag:$0x1] =	stream.indirect_vreg.gather [hbm4b:s2+s3], $0x80, v3, vm0, $0xb8;
	[tilespmem:$0x10100] =	vst v63  }
0x106: {  	v3 =	vld [tilespmem:$0x50];
	_ =	sdelay $0x4  }
0x107: {  	v53 =	vshll.u32 v3, $0x1  }
0x108: {  	v3 =	vand.u32 $0x7, v3;
	v4 =	vand.u32 $0xFFFFFFF0, v53  }
0x109: {  	v3 =	vor.u32 v3, v4  }
0x10a: {  	v4 =	vperm.xlane v3, v0;
	_ =	sdelay $0x1  }
0x10b: {  	v3 =	vperm.xlane v3, v2;
	v4 =	vadd.s32 v1, v4;
	_ =	sdelay $0x1  }
0x10c: {  	v3 =	vadd.s32 v1, v3;
	_ =	sdelay $0x2  }
0x10d: {  	[tilespmem:s26], [sflag:$0x1] =	stream.indirect_vreg.gather [hbm4b:s2+s3], $0x80, v4, vm0, $0xb8;
	[tilespmem:$0x10100] =	vst v63  }
0x10e: {  	_ = 	snop  }
0x10f: {  	[tilespmem:s28], [sflag:$0x1] =	stream.indirect_vreg.gather [hbm4b:s2+s3], $0x80, v3, vm0, $0xb8;
	[tilespmem:$0x10100] =	vst v63  }
0x110: {  	v3 =	vld [tilespmem:$0x60];
	_ =	sdelay $0x4  }
0x111: {  	v54 =	vshll.u32 v3, $0x1  }
0x112: {  	v3 =	vand.u32 $0x7, v3;
	v4 =	vand.u32 $0xFFFFFFF0, v54  }
0x113: {  	v3 =	vor.u32 v3, v4  }
0x114: {  	v4 =	vperm.xlane v3, v0;
	_ =	sdelay $0x1  }
0x115: {  	v3 =	vperm.xlane v3, v2;
	v4 =	vadd.s32 v1, v4;
	_ =	sdelay $0x1  }
0x116: {  	v3 =	vadd.s32 v1, v3;
	_ =	sdelay $0x2  }
0x117: {  	[tilespmem:s29], [sflag:$0x1] =	stream.indirect_vreg.gather [hbm4b:s2+s3], $0x80, v4, vm0, $0xb8;
	[tilespmem:$0x10100] =	vst v63  }
0x118: {  	_ = 	snop  }
0x119: {  	[tilespmem:s30], [sflag:$0x1] =	stream.indirect_vreg.gather [hbm4b:s2+s3], $0x80, v3, vm0, $0xb8;
	[tilespmem:$0x10100] =	vst v63  }
0x11a: {  	v3 =	vld [tilespmem:$0x70];
	_ =	sdelay $0x4  }
0x11b: {  	v55 =	vshll.u32 v3, $0x1  }
0x11c: {  	v3 =	vand.u32 $0x7, v3;
	v4 =	vand.u32 $0xFFFFFFF0, v55  }
0x11d: {  	v3 =	vor.u32 v3, v4  }
0x11e: {  	v4 =	vperm.xlane v3, v0;
	_ =	sdelay $0x1  }
0x11f: {  	v3 =	vperm.xlane v3, v2;
	v4 =	vadd.s32 v1, v4;
	_ =	sdelay $0x1  }
0x120: {  	v3 =	vadd.s32 v1, v3;
	_ =	sdelay $0x2  }
0x121: {  	[tilespmem:s31], [sflag:$0x1] =	stream.indirect_vreg.gather [hbm4b:s2+s3], $0x80, v4, vm0, $0xb8;
	[tilespmem:$0x10100] =	vst v63  }
0x122: {  	_ = 	snop  }
0x123: {  	[tilespmem:s6], [sflag:$0x1] =	stream.indirect_vreg.gather [hbm4b:s2+s3], $0x80, v3, vm0, $0xb8;
	[tilespmem:$0x10100] =	vst v63  }
0x124: {  	_ =	swait.ge [sflag:s13], $0x8000  }
0x125: {  	[sflag:s13] =	ssyncset.done $0x0  }
0x126: {  	s0 =	rddreg [dreg:$0x8];
	[sflag:s13] =	ssyncadd.s32 $0xFFFF8000  }
0x127: {  	[hbm4b:s0+s3] =	stream.linear.scatter [tilespmem:s1], [sflag:$0x2], $0x8000, $0x38;
	[tilespmem:$0x10100] =	vst v63  }
0x128: {  	_ =	swait.ge [sflag:s14], $0x8000  }
0x129: {  	[sflag:s14] =	ssyncset.done $0x0  }
0x12a: {  	s0 =	rddreg [dreg:$0x9];
	[sflag:s14] =	ssyncadd.s32 $0xFFFF8000  }
0x12b: {  	[tilespmem:s23], [sflag:$0x3] =	stream.linear.gather [hbm4b:s0+s3], $0x80, $0x38;
	[tilespmem:$0x10100] =	vst v63  }
0x12c: {  	_ =	swait.ge [sflag:s5], $0x80  }
0x12d: {  	[sflag:s5] =	ssyncset.done $0x0  }
0x12e: {  	[sflag:s5] =	ssyncadd.s32 $0xFFFFFF80  }
0x12f: {  	v3 =	vld [tilespmem:$0x80];
	_ =	sdelay $0x4  }
0x130: {  	v56 =	vshll.u32 v3, $0x1  }
0x131: {  	v3 =	vand.u32 $0x7, v3;
	v4 =	vand.u32 $0xFFFFFFF0, v56  }
0x132: {  	v3 =	vor.u32 v3, v4  }
0x133: {  	v4 =	vperm.xlane v3, v0;
	_ =	sdelay $0x1  }
0x134: {  	v3 =	vperm.xlane v3, v2;
	v4 =	vadd.s32 v1, v4;
	_ =	sdelay $0x1  }
0x135: {  	v3 =	vadd.s32 v1, v3;
	_ =	sdelay $0x2  }
0x136: {  	[tilespmem:s1], [sflag:$0x1] =	stream.indirect_vreg.gather [hbm4b:s2+s3], $0x80, v4, vm0, $0xb8;
	[tilespmem:$0x10100] =	vst v63  }
0x137: {  	_ = 	snop  }
0x138: {  	[tilespmem:s7], [sflag:$0x1] =	stream.indirect_vreg.gather [hbm4b:s2+s3], $0x80, v3, vm0, $0xb8;
	[tilespmem:$0x10100] =	vst v63  }
0x139: {  	v3 =	vld [tilespmem:$0x90];
	_ =	sdelay $0x4  }
0x13a: {  	v57 =	vshll.u32 v3, $0x1  }
0x13b: {  	v3 =	vand.u32 $0x7, v3;
	v4 =	vand.u32 $0xFFFFFFF0, v57  }
0x13c: {  	v3 =	vor.u32 v3, v4  }
0x13d: {  	v4 =	vperm.xlane v3, v0;
	_ =	sdelay $0x1  }
0x13e: {  	v3 =	vperm.xlane v3, v2;
	v4 =	vadd.s32 v1, v4;
	_ =	sdelay $0x1  }
0x13f: {  	v3 =	vadd.s32 v1, v3;
	_ =	sdelay $0x2  }
0x140: {  	[tilespmem:s8], [sflag:$0x1] =	stream.indirect_vreg.gather [hbm4b:s2+s3], $0x80, v4, vm0, $0xb8;
	[tilespmem:$0x10100] =	vst v63  }
0x141: {  	_ = 	snop  }
0x142: {  	[tilespmem:s9], [sflag:$0x1] =	stream.indirect_vreg.gather [hbm4b:s2+s3], $0x80, v3, vm0, $0xb8;
	[tilespmem:$0x10100] =	vst v63  }
0x143: {  	v3 =	vld [tilespmem:$0xA0];
	_ =	sdelay $0x4  }
0x144: {  	v58 =	vshll.u32 v3, $0x1  }
0x145: {  	v3 =	vand.u32 $0x7, v3;
	v4 =	vand.u32 $0xFFFFFFF0, v58  }
0x146: {  	v3 =	vor.u32 v3, v4  }
0x147: {  	v4 =	vperm.xlane v3, v0;
	_ =	sdelay $0x1  }
0x148: {  	v3 =	vperm.xlane v3, v2;
	v4 =	vadd.s32 v1, v4;
	_ =	sdelay $0x1  }
0x149: {  	v3 =	vadd.s32 v1, v3;
	_ =	sdelay $0x2  }
0x14a: {  	[tilespmem:s10], [sflag:$0x1] =	stream.indirect_vreg.gather [hbm4b:s2+s3], $0x80, v4, vm0, $0xb8;
	[tilespmem:$0x10100] =	vst v63  }
0x14b: {  	_ = 	snop  }
0x14c: {  	[tilespmem:s11], [sflag:$0x1] =	stream.indirect_vreg.gather [hbm4b:s2+s3], $0x80, v3, vm0, $0xb8;
	[tilespmem:$0x10100] =	vst v63  }
0x14d: {  	v3 =	vld [tilespmem:$0xB0];
	_ =	sdelay $0x4  }
0x14e: {  	v59 =	vshll.u32 v3, $0x1  }
0x14f: {  	v3 =	vand.u32 $0x7, v3;
	v4 =	vand.u32 $0xFFFFFFF0, v59  }
0x150: {  	v3 =	vor.u32 v3, v4  }
0x151: {  	v4 =	vperm.xlane v3, v0;
	_ =	sdelay $0x1  }
0x152: {  	v3 =	vperm.xlane v3, v2;
	v4 =	vadd.s32 v1, v4;
	_ =	sdelay $0x1  }
0x153: {  	v3 =	vadd.s32 v1, v3;
	_ =	sdelay $0x2  }
0x154: {  	[tilespmem:s12], [sflag:$0x1] =	stream.indirect_vreg.gather [hbm4b:s2+s3], $0x80, v4, vm0, $0xb8;
	[tilespmem:$0x10100] =	vst v63  }
0x155: {  	s15 =	simm.s32 $0xB900  }
0x156: {  	[tilespmem:s15], [sflag:$0x1] =	stream.indirect_vreg.gather [hbm4b:s2+s3], $0x80, v3, vm0, $0xb8;
	[tilespmem:$0x10100] =	vst v63  }
0x157: {  	v3 =	vld [tilespmem:$0xC0];
	_ =	sdelay $0x4  }
0x158: {  	v60 =	vshll.u32 v3, $0x1  }
0x159: {  	v3 =	vand.u32 $0x7, v3;
	v4 =	vand.u32 $0xFFFFFFF0, v60  }
0x15a: {  	v3 =	vor.u32 v3, v4  }
0x15b: {  	v4 =	vperm.xlane v3, v0;
	_ =	sdelay $0x1  }
0x15c: {  	v3 =	vperm.xlane v3, v2;
	v4 =	vadd.s32 v1, v4;
	_ =	sdelay $0x1  }
0x15d: {  	v3 =	vadd.s32 v1, v3;
	_ =	sdelay $0x1  }
0x15e: {  	s15 =	simm.s32 $0xC100  }
0x15f: {  	[tilespmem:s15], [sflag:$0x1] =	stream.indirect_vreg.gather [hbm4b:s2+s3], $0x80, v4, vm0, $0xb8;
	[tilespmem:$0x10100] =	vst v63  }
0x160: {  	s15 =	simm.s32 $0xC900  }
0x161: {  	[tilespmem:s15], [sflag:$0x1] =	stream.indirect_vreg.gather [hbm4b:s2+s3], $0x80, v3, vm0, $0xb8;
	[tilespmem:$0x10100] =	vst v63  }
0x162: {  	v3 =	vld [tilespmem:$0xD0];
	_ =	sdelay $0x4  }
0x163: {  	v61 =	vshll.u32 v3, $0x1  }
0x164: {  	v3 =	vand.u32 $0x7, v3;
	v4 =	vand.u32 $0xFFFFFFF0, v61  }
0x165: {  	v3 =	vor.u32 v3, v4  }
0x166: {  	v4 =	vperm.xlane v3, v0;
	_ =	sdelay $0x1  }
0x167: {  	v3 =	vperm.xlane v3, v2;
	v4 =	vadd.s32 v1, v4;
	_ =	sdelay $0x1  }
0x168: {  	v3 =	vadd.s32 v1, v3;
	_ =	sdelay $0x1  }
0x169: {  	s15 =	simm.s32 $0xD100  }
0x16a: {  	[tilespmem:s15], [sflag:$0x1] =	stream.indirect_vreg.gather [hbm4b:s2+s3], $0x80, v4, vm0, $0xb8;
	[tilespmem:$0x10100] =	vst v63  }
0x16b: {  	s15 =	simm.s32 $0xD900  }
0x16c: {  	[tilespmem:s15], [sflag:$0x1] =	stream.indirect_vreg.gather [hbm4b:s2+s3], $0x80, v3, vm0, $0xb8;
	[tilespmem:$0x10100] =	vst v63  }
0x16d: {  	v3 =	vld [tilespmem:$0xE0];
	_ =	sdelay $0x4  }
0x16e: {  	v62 =	vshll.u32 v3, $0x1  }
0x16f: {  	v3 =	vand.u32 $0x7, v3;
	v4 =	vand.u32 $0xFFFFFFF0, v62  }
0x170: {  	v3 =	vor.u32 v3, v4  }
0x171: {  	v4 =	vperm.xlane v3, v0;
	_ =	sdelay $0x1  }
0x172: {  	v3 =	vperm.xlane v3, v2;
	v4 =	vadd.s32 v1, v4;
	_ =	sdelay $0x1  }
0x173: {  	v3 =	vadd.s32 v1, v3;
	_ =	sdelay $0x1  }
0x174: {  	s15 =	simm.s32 $0xE100  }
0x175: {  	[tilespmem:s15], [sflag:$0x1] =	stream.indirect_vreg.gather [hbm4b:s2+s3], $0x80, v4, vm0, $0xb8;
	[tilespmem:$0x10100] =	vst v63  }
0x176: {  	s15 =	simm.s32 $0xE900  }
0x177: {  	[tilespmem:s15], [sflag:$0x1] =	stream.indirect_vreg.gather [hbm4b:s2+s3], $0x80, v3, vm0, $0xb8;
	[tilespmem:$0x10100] =	vst v63  }
0x178: {  	v3 =	vld [tilespmem:$0xF0];
	_ =	sdelay $0x4  }
0x179: {  	v63 =	vshll.u32 v3, $0x1  }
0x17a: {  	v3 =	vand.u32 $0x7, v3;
	v4 =	vand.u32 $0xFFFFFFF0, v63  }
0x17b: {  	v3 =	vor.u32 v3, v4  }
0x17c: {  	v4 =	vperm.xlane v3, v0;
	_ =	sdelay $0x1  }
0x17d: {  	v3 =	vperm.xlane v3, v2;
	v4 =	vadd.s32 v1, v4;
	_ =	sdelay $0x1  }
0x17e: {  	v3 =	vadd.s32 v1, v3;
	_ =	sdelay $0x1  }
0x17f: {  	s15 =	simm.s32 $0xF100  }
0x180: {  	[tilespmem:s15], [sflag:$0x1] =	stream.indirect_vreg.gather [hbm4b:s2+s3], $0x80, v4, vm0, $0xb8;
	[tilespmem:$0x10100] =	vst v63  }
0x181: {  	s15 =	simm.s32 $0xF900  }
0x182: {  	[tilespmem:s15], [sflag:$0x1] =	stream.indirect_vreg.gather [hbm4b:s2+s3], $0x80, v3, vm0, $0xb8;
	[tilespmem:$0x10100] =	vst v63  }
0x183: {  	_ =	swait.ge [sflag:s13], $0x8000  }
0x184: {  	[sflag:s13] =	ssyncset.done $0x0  }
0x185: {  	s0 =	simm.s32 $0x100;
	s15 =	rddreg [dreg:$0xa];
	[sflag:s13] =	ssyncadd.s32 $0xFFFF8000  }
0x186: {  	[hbm4b:s15+s3] =	stream.linear.scatter [tilespmem:s0], [sflag:$0x2], $0x8000, $0x38;
	[tilespmem:$0x10100] =	vst v63  }
0x187: {  	_ =	swait.ge [sflag:s13], $0x8000  }
0x188: {  	[sflag:s13] =	ssyncset.done $0x0  }
0x189: {  	s0 =	rddreg [dreg:$0xb];
	[sflag:s13] =	ssyncadd.s32 $0xFFFF8000  }
0x18a: {  	[hbm4b:s0+s3] =	stream.linear.scatter [tilespmem:s1], [sflag:$0x2], $0x8000, $0x38;
	[tilespmem:$0x10100] =	vst v63  }
0x18b: {  	p0 =	sne.s32 s4, $0x1;
	_ =	swait.ge [sflag:s14], $0x8000  }
.Ltmp0:
0x18c: {  	[sflag:s14] =	ssyncset.done $0x0;
	(pc) =	sbr.rel @p0 .LBB2_1-.Ltmp0, $4  }
0x18d: {  	[sflag:s14] =	ssyncadd.s32 $0xFFFF8000  }
0x18e: {  	_ =	swait.ge [sflag:s14], $0x8000  }
0x18f: {  	[sflag:s14] =	ssyncset.done $0x0  }
0x190: {  	s4 =	sadd.s32 $0xFFFFFFFF, s4;
	[sflag:s14] =	ssyncadd.s32 $0xFFFF8000  }
0x191: {  	_ =	sfence.sel $0x180000  }
0x192: {  	[bflag:$0x0] =	sbarrier.arrive $0xFFFF  }
0x193: {  	_ =	strace $0x90000047  }
0x194: {  	s0 =	stileid.u32;
	[bflag:$0x2] =	sbarrier.arrive $0xFFFF  }
0x195: {  	p0 =	sne.s32 s0, $0x0;
	s0 =	rddreg [dreg:$0x3]  }
0x196: {  	s0 =	sadd.s32 @!p0 $0x100000, s0  }
0x197: {  	[sflag:s0] =	ssyncadd.tile.s32 @!p0 $0x1;
	_ =	shalt  }
.Lfunc_end2:
_tile_overlayer_lowered:
.L_overlay_start_2:
0x198: {  	(tag) =	ssettag $0x2  }
0x199: {  	s0 =	rddreg [dreg:$0x0];
	s2 =	stileid.u32  }
0x19a: {  	s1 =	rddreg [dreg:$0x1];
	p0 =	sne.s32 s2, $0x0  }
0x19b: {  	s3 =	rddreg [dreg:$0x2];
	[bflag:$0x3] =	sbarrier.arrive $0xFFFF;
	s2 =	simm.s32 @!p0 $0x1C03  }
0x19c: {  	[timem:s3], [sflag:s2] =	dma.local @!p0 [hbm:s0], s1  }
0x19d: {  	s0 =	simm.s32 @!p0 $0x3  }
0x19e: {  	_ =	swait.ge @!p0 [sflag:s0], s1  }
0x19f: {  	s1 =	ssub.s32 @!p0 $0x0, s1;
	[sflag:s0] =	ssyncset.done @!p0 $0x0  }
0x1a0: {  	[sflag:s0] =	ssyncadd.s32 @!p0 s1  }
0x1a1: {  	[bflag:$0x3] =	sbarrier.arrive $0xFFFF  }
0x1a2: {  	_ =	shalt  }

</sc_bundles>
